<compile_context>
chip_gen: v7x
topology: tpu7x:2x2x1
jax: 0.10.2.dev20260603
libtpu: 0.0.44.dev20260713+nightly
codegen_flags: <defaults>
</compile_context>

<pallas_src>
import jax
import jax.numpy as jnp
from jax import lax
from jax.experimental import pallas as pl
from jax.experimental.pallas import tpu as pltpu
from jax.experimental.pallas import tpu_sc as plsc

_B, _C, _D, _H, _W = 2, 256, 16, 32, 32
_GW = 2048
_K = 1024
_NCORN = 8
_NROWS = _B * _NCORN * _GW
_GWIN = 128
_TG = 256


def _axis_idx(c, n):
    half = (n - 1.0) / 2.0
    cg = (c - half) / half
    cg = jnp.clip(cg, -1.0, 1.0)
    i = ((cg + 1.0) * n - 1.0) / 2.0
    ri = jnp.round(i).astype(jnp.int32)
    valid = (ri >= 0) & (ri < n)
    return jnp.clip(ri, 0, int(n) - 1), valid


def _idx_kernel(g_ref, idx_ref, w_ref, m_ref):
    xs = g_ref[0]
    ys = g_ref[1]
    zs = g_ref[2]
    x = jnp.clip(xs, -1.0, 1.0)
    x = (x + 1.0) / 2.0
    x = x * (_W - 1.0)
    y = jnp.clip(ys, -1.0, 1.0)
    y = (y + 1.0) / 2.0
    y = y * (_H - 1.0)
    z = jnp.clip(zs, -1.0, 1.0)
    z = (z + 1.0) / 2.0
    z = z * (_D - 1.0)
    x0 = jnp.floor(x)
    y0 = jnp.floor(y)
    z0 = jnp.floor(z)
    u = x - x0
    v = y - y0
    w = z - z0
    x1 = x0 + 1.0
    y1 = y0 + 1.0
    z1 = z0 + 1.0
    b = lax.broadcasted_iota(jnp.int32, (_B, _GW), 0)
    for j in range(_NCORN):
        dx, dy, dz = (j >> 2) & 1, (j >> 1) & 1, j & 1
        cx = x1 if dx else x0
        cy = y1 if dy else y0
        cz = z1 if dz else z0
        ix, mx = _axis_idx(cx, _W)
        iy, my = _axis_idx(cy, _H)
        iz = jnp.clip(cz.astype(jnp.int32), 0, _D - 1)
        idx_ref[j] = b * (_D * _H * _W) + iz * (_H * _W) + iy * _W + ix
        m_ref[j] = (mx & my).astype(jnp.float32) * -2.0
        fx = u if dx else (1.0 - u)
        fy = v if dy else (1.0 - v)
        fz = w if dz else (1.0 - w)
        w_ref[j] = fx * fy * fz


def _compute_indices(g3):
    return pl.pallas_call(
        _idx_kernel,
        out_shape=(
            jax.ShapeDtypeStruct((_NCORN, _B, _GW), jnp.int32),
            jax.ShapeDtypeStruct((_NCORN, _B, _GW), jnp.float32),
            jax.ShapeDtypeStruct((_NCORN, _B, _GW), jnp.float32),
        ),
    )(g3)


def _sc_gather(feats_rows, idx_flat):
    nrows = idx_flat.shape[1]
    mesh = plsc.VectorSubcoreMesh(core_axis_name="core",
                                  subcore_axis_name="subcore")

    @pl.kernel(out_type=jax.ShapeDtypeStruct((nrows, _C), jnp.float32),
               mesh=mesh)
    def gather_kernel(data_hbm, i_hbm, o_hbm):
        def body(i_vmem, o_vmem):
            pltpu.sync_copy(data_hbm.at[i_vmem.at[0]], o_vmem)

        pltpu.emit_pipeline(
            body,
            grid=(nrows // _GWIN,),
            in_specs=[pl.BlockSpec((1, _GWIN), lambda i: (0, i))],
            out_specs=[pl.BlockSpec((_GWIN, _C), lambda i: (i, 0))],
            core_axis_name=("core", "subcore"),
            dimension_semantics=(pltpu.PARALLEL,),
        )(i_hbm, o_hbm)

    return gather_kernel(feats_rows, idx_flat)


def _vq_kernel(x_ref, w_ref, m_ref, cb_ref, o_ref):
    rows = _NCORN * _TG
    cb = cb_ref[...]
    x3 = x_ref[...].reshape(_NCORN, _TG, _C)
    mt = m_ref[...].reshape(_NCORN, _TG, 1)
    wt = w_ref[...].reshape(_NCORN, _TG, 1)
    xs = (x3 * mt).reshape(rows, _C)
    xx = jnp.sum(xs * xs, axis=-1, keepdims=True) * 0.25
    dot = lax.dot_general(xs, cb, (((1,), (1,)), ((), ())),
                          preferred_element_type=jnp.float32,
                          precision=lax.Precision.DEFAULT)
    cc = jnp.sum(cb * cb, axis=-1)
    d = (xx + dot) + cc
    dmin = jnp.min(d, axis=-1, keepdims=True)
    kk = lax.broadcasted_iota(jnp.int32, (rows, _K), 1).astype(jnp.float32)
    cand = jnp.where(d == dmin, kk, float(_K))
    sel = jnp.min(cand, axis=-1, keepdims=True)
    sel3 = sel.reshape(_NCORN, _TG, 1)
    kk2 = kk[:_TG]
    msel = jnp.where(sel3[0] == kk2, wt[0], 0.0)
    for j in range(1, _NCORN):
        msel = msel + jnp.where(sel3[j] == kk2, wt[j], 0.0)
    mh = msel.astype(jnp.bfloat16)
    ml = (msel - mh.astype(jnp.float32)).astype(jnp.bfloat16)
    bh = cb.astype(jnp.bfloat16)
    bl = (cb - bh.astype(jnp.float32)).astype(jnp.bfloat16)
    dn = (((1,), (0,)), ((), ()))
    q = (lax.dot_general(mh, bh, dn, preferred_element_type=jnp.float32)
         + lax.dot_general(mh, bl, dn, preferred_element_type=jnp.float32)
         + lax.dot_general(ml, bh, dn, preferred_element_type=jnp.float32))
    o_ref[...] = q.reshape(1, _TG, _C)


def _vq_blend(x4, w8, m8, codebook):
    return pl.pallas_call(
        _vq_kernel,
        grid=(_B, _GW // _TG),
        in_specs=[
            pl.BlockSpec((_NCORN, 1, _TG, _C), lambda b, t: (0, b, t, 0)),
            pl.BlockSpec((_NCORN, 1, 1, _TG), lambda b, t: (0, b, 0, t)),
            pl.BlockSpec((_NCORN, 1, 1, _TG), lambda b, t: (0, b, 0, t)),
            pl.BlockSpec((_K, _C), lambda b, t: (0, 0)),
        ],
        out_specs=pl.BlockSpec((1, _TG, _C), lambda b, t: (b, t, 0)),
        out_shape=jax.ShapeDtypeStruct((_B, _GW, _C), jnp.float32),
    )(x4, w8.reshape(_NCORN, _B, 1, _GW), m8.reshape(_NCORN, _B, 1, _GW),
      codebook)


def kernel(input_feats, sampling_grid, codebook):
    g3 = jnp.transpose(sampling_grid.reshape(_B, _GW, 3), (2, 0, 1))
    idx, w8, m8 = _compute_indices(g3)
    feats_rows = jnp.transpose(input_feats, (0, 2, 3, 4, 1))
    feats_rows = feats_rows.reshape(_B * _D * _H * _W, _C)
    xg = _sc_gather(feats_rows, idx.reshape(1, _NROWS))
    x4 = xg.reshape(_NCORN, _B, _GW, _C)
    out = _vq_blend(x4, w8, m8, codebook)
    return jnp.transpose(out, (0, 2, 1))[:, :, None, :]

# --- scband reference (transcript-rebuilt; emitter-appended) ---
"""Pipeline reference for scband-trilinear-intepolation-54717883351359 (READ-ONLY COPY).

The authoritative reference and input builder live on the scoring server;
editing this copy changes nothing except your own understanding.
"""

import jax, jax.numpy as jnp
import numpy as np


def _sample_at_integer_locs(input_feats, index_tensor):
    B, C, D, H, W = input_feats.shape
    gh, gw = index_tensor.shape[1], index_tensor.shape[2]
    xg = index_tensor[..., 0]
    yg = index_tensor[..., 1]
    xg = (xg - (W - 1.0) / 2.0) / ((W - 1.0) / 2.0)
    yg = (yg - (H - 1.0) / 2.0) / ((H - 1.0) / 2.0)
    xg = jnp.clip(xg, -1.0, 1.0)
    yg = jnp.clip(yg, -1.0, 1.0)
    # grid_sample nearest, align_corners=False, padding_mode='zeros'
    ix = ((xg + 1.0) * W - 1.0) / 2.0
    iy = ((yg + 1.0) * H - 1.0) / 2.0
    ixn = jnp.round(ix).astype(jnp.int32)
    iyn = jnp.round(iy).astype(jnp.int32)
    mask = ((ixn >= 0) & (ixn < W) & (iyn >= 0) & (iyn < H)).astype(input_feats.dtype)
    ixc = jnp.clip(ixn, 0, W - 1)
    iyc = jnp.clip(iyn, 0, H - 1)
    feats2d = input_feats.reshape(B, C * D, H, W)
    b = jnp.arange(B)[:, None, None]
    samp = feats2d[b, :, iyc, ixc]  # [B, gh, gw, C*D]
    samp = samp * mask[..., None]
    samp = jnp.transpose(samp, (0, 3, 1, 2)).reshape(B, C, D, gh, gw)
    z = jnp.clip(index_tensor[..., 2].astype(jnp.int32), 0, D - 1)
    z = jnp.broadcast_to(z.reshape(B, 1, 1, gh, gw), (B, C, 1, gh, gw))
    samp3d = jnp.take_along_axis(samp, z, axis=2)[:, :, 0]
    return samp3d  # [B, C, gh, gw]


def _vq(x, codebook):
    # x: [B, N, F]; nearest-codeword vector quantization
    d = jnp.sum(x * x, axis=-1, keepdims=True) - 2.0 * jnp.einsum('bnf,kf->bnk', x, codebook) + jnp.sum(codebook * codebook, axis=-1)
    idx = jnp.argmin(d, axis=-1)
    return codebook[idx], idx


def setup_inputs(seed: int = 0):
    key = jax.random.key(seed)
    k1, k2, k3 = jax.random.split(key, 3)
    input_feats = jax.random.normal(k1, (2, 256, 16, 32, 32), dtype=jnp.float32)
    sampling_grid = jax.random.uniform(k2, (2, 1, 2048, 3), dtype=jnp.float32)
    codebook = jax.random.normal(k3, (1024, 256), dtype=jnp.float32)
    return {"input_feats": input_feats, "sampling_grid": sampling_grid, "codebook": codebook}


def reference(input_feats, sampling_grid, codebook):
    B, C, D, H, W = input_feats.shape
    gh, gw = sampling_grid.shape[1], sampling_grid.shape[2]
    sg = jnp.clip(sampling_grid, -1.0, 1.0)
    sg = (sg + 1.0) / 2.0
    scale = jnp.array([W - 1.0, H - 1.0, D - 1.0], dtype=sg.dtype).reshape(1, 1, 1, 3)
    sg = sg * scale
    x, y, z = sg[..., 0:1], sg[..., 1:2], sg[..., 2:3]
    x0, y0, z0 = jnp.floor(x), jnp.floor(y), jnp.floor(z)
    x1, y1, z1 = x0 + 1.0, y0 + 1.0, z0 + 1.0
    u = (x - x0).reshape(B, 1, gh, gw)
    v = (y - y0).reshape(B, 1, gh, gw)
    w = (z - z0).reshape(B, 1, gh, gw)

    def corner(cx, cy, cz):
        c = _sample_at_integer_locs(input_feats, jnp.concatenate([cx, cy, cz], axis=3))
        c2 = jnp.transpose(c[:, :, 0, :], (0, 2, 1))  # squeeze(2) (gh==1) then permute(0,2,1)
        q = _vq(c2, codebook)[0]
        return jnp.transpose(q, (0, 2, 1))[:, :, None, :]

    c000 = corner(x0, y0, z0)
    c001 = corner(x0, y0, z1)
    c010 = corner(x0, y1, z0)
    c011 = corner(x0, y1, z1)
    c100 = corner(x1, y0, z0)
    c101 = corner(x1, y0, z1)
    c110 = corner(x1, y1, z0)
    c111 = corner(x1, y1, z1)
    c_xyz = ((1.0 - u) * (1.0 - v) * (1.0 - w) * c000
             + (1.0 - u) * (1.0 - v) * w * c001
             + (1.0 - u) * v * (1.0 - w) * c010
             + (1.0 - u) * v * w * c011
             + u * (1.0 - v) * (1.0 - w) * c100
             + u * (1.0 - v) * w * c101
             + u * v * (1.0 - w) * c110
             + u * v * w * c111)
    return c_xyz

if __name__ == "__main__":
    import jax
    _d = setup_inputs()
    print(jax.jit(kernel)(*tuple(_d.values())))

</pallas_src>

<mosaic_0001>
#map = affine_map<(d0, d1) -> (0, 0)>
module attributes {stable_mosaic.version = 14 : i64} {
  func.func @gather_kernel(%arg0: i32, %arg1: i32, %arg2: memref<32768x256xf32, #tpu.memory_space<hbm>>, %arg3: memref<1x32768xi32, #tpu.memory_space<hbm>>, %arg4: memref<32768x256xf32, #tpu.memory_space<hbm>>) attributes {dimension_semantics = [#tpu.dimension_semantics<core_parallel>, #tpu.dimension_semantics<subcore_parallel>], iteration_bounds = array<i64: 2, 16>, scalar_prefetch = 0 : i64, scratch_operands = 0 : i64, tpu.core_type = #tpu.core_type<sc_vector_subcore>, window_params = [{transform_indices = #map}, {transform_indices = #map}, {transform_indices = #map}]} {
    %mul3A = arith.constant 1 : i32
    %mul3A_0 = arith.muli %arg1, %mul3A : i32
    %add3A = arith.constant 0 : i32
    %add3A_1 = arith.addi %add3A, %mul3A_0 : i32
    %mul3A_2 = arith.constant 16 : i32
    %mul3A_3 = arith.muli %arg0, %mul3A_2 : i32
    %add3A_4 = arith.addi %add3A_1, %mul3A_3 : i32
    %mul3A_5 = arith.constant 8 : i32
    %mul3A_6 = arith.muli %add3A_4, %mul3A_5 : i32
    "tpu.region"() ({
      %run_scoped3A = memref.alloca() : memref<2x1x128xi32, #tpu.memory_space<vmem>>
      %run_scoped3A_7 = tpu.sem_alloc : memref<2x!tpu.dma_semaphore, #tpu.memory_space<semaphore_mem>>
      %run_scoped3A_8 = memref.alloca() : memref<2x128x256xf32, #tpu.memory_space<vmem>>
      %run_scoped3A_9 = tpu.sem_alloc : memref<2x!tpu.dma_semaphore, #tpu.memory_space<semaphore_mem>>
      %add3A_10 = arith.constant 0 : i32
      %add3A_11 = arith.addi %add3A_10, %mul3A_6 : i32
      %select_n3A = arith.constant true
      %select_n3A_12 = arith.constant 0 : i32
      %select_n3A_13 = arith.constant -1 : i32
      %select_n3A_14 = arith.select %select_n3A, %select_n3A_13, %select_n3A_12 : i32
      %eq3A = arith.constant -1 : i32
      %eq3A_15 = arith.cmpi eq, %select_n3A_14, %eq3A : i32
      %select_n3A_16 = arith.constant 7 : i32
      %select_n3A_17 = arith.select %eq3A_15, %select_n3A_16, %select_n3A_14 : i32
      %add3A_18 = arith.addi %select_n3A_17, %mul3A_6 : i32
      %select_n3A_19 = arith.constant true
      %select_n3A_20 = arith.constant 0 : i32
      %select_n3A_21 = arith.constant 1 : i32
      %select_n3A_22 = arith.select %select_n3A_19, %select_n3A_21, %select_n3A_20 : i32
      %eq3A_23 = arith.constant 8 : i32
      %eq3A_24 = arith.cmpi eq, %select_n3A_22, %eq3A_23 : i32
      %select_n3A_25 = arith.constant 0 : i32
      %select_n3A_26 = arith.select %eq3A_24, %select_n3A_25, %select_n3A_22 : i32
      %add3A_27 = arith.addi %select_n3A_26, %mul3A_6 : i32
      %add3A_28 = arith.constant 1 : i32
      %add3A_29 = arith.addi %select_n3A_26, %add3A_28 : i32
      %select_n3A_30 = arith.constant true
      %select_n3A_31 = arith.select %select_n3A_30, %add3A_29, %select_n3A_26 : i32
      %eq3A_32 = arith.constant 8 : i32
      %eq3A_33 = arith.cmpi eq, %select_n3A_31, %eq3A_32 : i32
      %select_n3A_34 = arith.constant 0 : i32
      %select_n3A_35 = arith.select %eq3A_33, %select_n3A_34, %select_n3A_31 : i32
      %add3A_36 = arith.addi %select_n3A_35, %mul3A_6 : i32
      "tpu.trace_start"() <{level = 10 : i32, message = "ep_initialize_0"}> : () -> ()
      %rem3A = arith.constant 0 : i32
      %rem3A_37 = arith.constant 2 : i32
      %rem3A_38 = arith.remui %rem3A, %rem3A_37 : i32
      %mul3A_39 = arith.constant 128 : i32
      %mul3A_40 = arith.muli %mul3A_39, %add3A_11 : i32
      %dma_start3A = arith.constant 0 : i32
      %dma_start3A_41 = arith.constant 0 : i32
      %dma_start3A_42 = tpu.memref_slice %run_scoped3A[%rem3A_38, %dma_start3A, %dma_start3A_41] : memref<2x1x128xi32, #tpu.memory_space<vmem>> -> memref<1x1x128xi32, #tpu.memory_space<vmem>>
      %dma_start3A_43 = tpu.memref_squeeze %dma_start3A_42 : memref<1x1x128xi32, #tpu.memory_space<vmem>> -> memref<1x128xi32, #tpu.memory_space<vmem>>
      %dma_start3A_44 = arith.constant 0 : i32
      %dma_start3A_45 = tpu.memref_slice %arg3[%dma_start3A_44, %mul3A_40] : memref<1x32768xi32, #tpu.memory_space<hbm>> -> memref<1x128xi32, #tpu.memory_space<hbm>>
      %dma_start3A_46 = tpu.memref_slice %run_scoped3A_7[%rem3A_38] : memref<2x!tpu.dma_semaphore, #tpu.memory_space<semaphore_mem>> -> memref<1x!tpu.dma_semaphore, #tpu.memory_space<semaphore_mem>>
      %dma_start3A_47 = tpu.memref_squeeze %dma_start3A_46 : memref<1x!tpu.dma_semaphore, #tpu.memory_space<semaphore_mem>> -> memref<!tpu.dma_semaphore, #tpu.memory_space<semaphore_mem>>
      %dma_start3A_48 = arith.constant 0 : i32
      %dma_start3A_49 = arith.constant 0 : i32
      %dma_start3A_50 = tpu.memref_slice %run_scoped3A[%rem3A_38, %dma_start3A_48, %dma_start3A_49] : memref<2x1x128xi32, #tpu.memory_space<vmem>> -> memref<1x1x128xi32, #tpu.memory_space<vmem>>
      %dma_start3A_51 = tpu.memref_squeeze %dma_start3A_50 : memref<1x1x128xi32, #tpu.memory_space<vmem>> -> memref<1x128xi32, #tpu.memory_space<vmem>>
      %dma_start3A_52 = arith.constant 0 : i32
      %dma_start3A_53 = tpu.memref_slice %arg3[%dma_start3A_52, %mul3A_40] : memref<1x32768xi32, #tpu.memory_space<hbm>> -> memref<1x128xi32, #tpu.memory_space<hbm>>
      tpu.enqueue_dma source(%dma_start3A_53 : memref<1x128xi32, #tpu.memory_space<hbm>>) target(%dma_start3A_51 : memref<1x128xi32, #tpu.memory_space<vmem>>) target_semaphore(%dma_start3A_47 : memref<!tpu.dma_semaphore, #tpu.memory_space<semaphore_mem>>)
      %add3A_54 = arith.constant 0 : i32
      %add3A_55 = arith.constant 1 : i32
      %add3A_56 = arith.addi %add3A_54, %add3A_55 : i32
      %select_n3A_57 = arith.constant true
      %select_n3A_58 = arith.constant 0 : i32
      %select_n3A_59 = arith.select %select_n3A_57, %add3A_56, %select_n3A_58 : i32
      "tpu.trace_stop"() : () -> ()
      %scan3A = arith.constant 0 : i32
      %scan3A_60 = arith.constant 0 : i32
      %scan3A_61 = arith.constant 0 : i32
      %scan3A_62 = arith.constant 0 : i32
      %scan3A_63 = arith.constant 0 : i32
      %scan3A_64 = arith.constant 8 : i32
      %scan3A_65 = arith.addi %scan3A_63, %scan3A_64 : i32
      %scan3A_66 = arith.constant 1 : i32
      %scan3A_67:5 = scf.for %scan3A_121 = %scan3A_63 to %scan3A_65 step %scan3A_66 iter_args(%scan3A_122 = %select_n3A_59, %scan3A_123 = %scan3A, %scan3A_124 = %scan3A_60, %scan3A_125 = %scan3A_61, %scan3A_126 = %scan3A_62) -> (i32, i32, i32, i32, i32)  : i32 {
        %eq3A_127 = arith.constant 0 : i32
        %eq3A_128 = arith.cmpi eq, %scan3A_121, %eq3A_127 : i32
        %eq3A_129 = arith.constant 7 : i32
        %eq3A_130 = arith.cmpi eq, %scan3A_121, %eq3A_129 : i32
        %add3A_131 = arith.addi %scan3A_126, %mul3A_6 : i32
        %sub3A_132 = arith.constant 1 : i32
        %sub3A_133 = arith.subi %scan3A_126, %sub3A_132 : i32
        %select_n3A_134 = arith.constant true
        %select_n3A_135 = arith.select %select_n3A_134, %sub3A_133, %scan3A_126 : i32
        %eq3A_136 = arith.constant -1 : i32
        %eq3A_137 = arith.cmpi eq, %select_n3A_135, %eq3A_136 : i32
        %select_n3A_138 = arith.constant 7 : i32
        %select_n3A_139 = arith.select %eq3A_137, %select_n3A_138, %select_n3A_135 : i32
        %add3A_140 = arith.addi %select_n3A_139, %mul3A_6 : i32
        %add3A_141 = arith.constant 1 : i32
        %add3A_142 = arith.addi %scan3A_126, %add3A_141 : i32
        %select_n3A_143 = arith.constant true
        %select_n3A_144 = arith.select %select_n3A_143, %add3A_142, %scan3A_126 : i32
        %eq3A_145 = arith.constant 8 : i32
        %eq3A_146 = arith.cmpi eq, %select_n3A_144, %eq3A_145 : i32
        %select_n3A_147 = arith.constant 0 : i32
        %select_n3A_148 = arith.select %eq3A_146, %select_n3A_147, %select_n3A_144 : i32
        %add3A_149 = arith.addi %select_n3A_148, %mul3A_6 : i32
        %add3A_150 = arith.constant 1 : i32
        %add3A_151 = arith.addi %select_n3A_148, %add3A_150 : i32
        %select_n3A_152 = arith.constant true
        %select_n3A_153 = arith.select %select_n3A_152, %add3A_151, %select_n3A_148 : i32
        %eq3A_154 = arith.constant 8 : i32
        %eq3A_155 = arith.cmpi eq, %select_n3A_153, %eq3A_154 : i32
        %select_n3A_156 = arith.constant 0 : i32
        %select_n3A_157 = arith.select %eq3A_155, %select_n3A_156, %select_n3A_153 : i32
        %add3A_158 = arith.addi %select_n3A_157, %mul3A_6 : i32
        %ne3A = arith.cmpi ne, %add3A_131, %add3A_149 : i32
        %or3A = arith.constant false
        %or3A_159 = arith.ori %or3A, %ne3A : i1
        %ge3A = arith.constant 7 : i32
        %ge3A_160 = arith.cmpi sge, %scan3A_121, %ge3A : i32
        %not3A = arith.constant true
        %not3A_161 = arith.xori %ge3A_160, %not3A : i1
        %and3A = arith.andi %or3A_159, %not3A_161 : i1
        %convert_element_type3A = arith.extui %and3A : i1 to i32
        %cond3A = arith.constant 0 : i32
        %cond3A_162 = arith.cmpi ne, %convert_element_type3A, %cond3A : i32
        scf.if %cond3A_162 {
          "tpu.trace_start"() <{level = 10 : i32, message = "ep_copy_in"}> : () -> ()
          %rem3A_264 = arith.constant 2 : i32
          %rem3A_265 = arith.remui %scan3A_122, %rem3A_264 : i32
          %mul3A_266 = arith.constant 128 : i32
          %mul3A_267 = arith.muli %mul3A_266, %add3A_149 : i32
          %dma_start3A_268 = arith.constant 0 : i32
          %dma_start3A_269 = arith.constant 0 : i32
          %dma_start3A_270 = tpu.memref_slice %run_scoped3A[%rem3A_265, %dma_start3A_268, %dma_start3A_269] : memref<2x1x128xi32, #tpu.memory_space<vmem>> -> memref<1x1x128xi32, #tpu.memory_space<vmem>>
          %dma_start3A_271 = tpu.memref_squeeze %dma_start3A_270 : memref<1x1x128xi32, #tpu.memory_space<vmem>> -> memref<1x128xi32, #tpu.memory_space<vmem>>
          %dma_start3A_272 = arith.constant 0 : i32
          %dma_start3A_273 = tpu.memref_slice %arg3[%dma_start3A_272, %mul3A_267] : memref<1x32768xi32, #tpu.memory_space<hbm>> -> memref<1x128xi32, #tpu.memory_space<hbm>>
          %dma_start3A_274 = tpu.memref_slice %run_scoped3A_7[%rem3A_265] : memref<2x!tpu.dma_semaphore, #tpu.memory_space<semaphore_mem>> -> memref<1x!tpu.dma_semaphore, #tpu.memory_space<semaphore_mem>>
          %dma_start3A_275 = tpu.memref_squeeze %dma_start3A_274 : memref<1x!tpu.dma_semaphore, #tpu.memory_space<semaphore_mem>> -> memref<!tpu.dma_semaphore, #tpu.memory_space<semaphore_mem>>
          %dma_start3A_276 = arith.constant 0 : i32
          %dma_start3A_277 = arith.constant 0 : i32
          %dma_start3A_278 = tpu.memref_slice %run_scoped3A[%rem3A_265, %dma_start3A_276, %dma_start3A_277] : memref<2x1x128xi32, #tpu.memory_space<vmem>> -> memref<1x1x128xi32, #tpu.memory_space<vmem>>
          %dma_start3A_279 = tpu.memref_squeeze %dma_start3A_278 : memref<1x1x128xi32, #tpu.memory_space<vmem>> -> memref<1x128xi32, #tpu.memory_space<vmem>>
          %dma_start3A_280 = arith.constant 0 : i32
          %dma_start3A_281 = tpu.memref_slice %arg3[%dma_start3A_280, %mul3A_267] : memref<1x32768xi32, #tpu.memory_space<hbm>> -> memref<1x128xi32, #tpu.memory_space<hbm>>
          tpu.enqueue_dma source(%dma_start3A_281 : memref<1x128xi32, #tpu.memory_space<hbm>>) target(%dma_start3A_279 : memref<1x128xi32, #tpu.memory_space<vmem>>) target_semaphore(%dma_start3A_275 : memref<!tpu.dma_semaphore, #tpu.memory_space<semaphore_mem>>)
          "tpu.trace_stop"() : () -> ()
        } else {
        }
        %and3A_163 = arith.constant true
        %and3A_164 = arith.andi %and3A, %and3A_163 : i1
        %add3A_165 = arith.constant 1 : i32
        %add3A_166 = arith.addi %scan3A_122, %add3A_165 : i32
        %select_n3A_167 = arith.select %and3A_164, %add3A_166, %scan3A_122 : i32
        %ne3A_168 = arith.cmpi ne, %add3A_131, %add3A_149 : i32
        %or3A_169 = arith.constant false
        %or3A_170 = arith.ori %or3A_169, %ne3A_168 : i1
        %or3A_171 = arith.constant false
        %or3A_172 = arith.ori %or3A_170, %or3A_171 : i1
        %ge3A_173 = arith.constant 7 : i32
        %ge3A_174 = arith.cmpi sge, %scan3A_121, %ge3A_173 : i32
        %not3A_175 = arith.constant true
        %not3A_176 = arith.xori %ge3A_174, %not3A_175 : i1
        %and3A_177 = arith.andi %or3A_172, %not3A_176 : i1
        %ne3A_178 = arith.cmpi ne, %add3A_131, %add3A_140 : i32
        %or3A_179 = arith.constant false
        %or3A_180 = arith.ori %or3A_179, %ne3A_178 : i1
        %or3A_181 = arith.ori %or3A_180, %eq3A_128 : i1
        %convert_element_type3A_182 = arith.extui %or3A_181 : i1 to i32
        %cond3A_183 = arith.constant 0 : i32
        %cond3A_184 = arith.cmpi ne, %convert_element_type3A_182, %cond3A_183 : i32
        scf.if %cond3A_184 {
          "tpu.trace_start"() <{level = 10 : i32, message = "ep_wait_in"}> : () -> ()
          %mul3A_264 = arith.constant 128 : i32
          %mul3A_265 = arith.muli %mul3A_264, %add3A_131 : i32
          %rem3A_266 = arith.constant 2 : i32
          %rem3A_267 = arith.remui %scan3A_123, %rem3A_266 : i32
          %dma_wait3A_268 = arith.constant 0 : i32
          %dma_wait3A_269 = arith.constant 0 : i32
          %dma_wait3A_270 = tpu.memref_slice %run_scoped3A[%rem3A_267, %dma_wait3A_268, %dma_wait3A_269] : memref<2x1x128xi32, #tpu.memory_space<vmem>> -> memref<1x1x128xi32, #tpu.memory_space<vmem>>
          %dma_wait3A_271 = tpu.memref_squeeze %dma_wait3A_270 : memref<1x1x128xi32, #tpu.memory_space<vmem>> -> memref<1x128xi32, #tpu.memory_space<vmem>>
          %dma_wait3A_272 = arith.constant 0 : i32
          %dma_wait3A_273 = tpu.memref_slice %arg3[%dma_wait3A_272, %mul3A_265] : memref<1x32768xi32, #tpu.memory_space<hbm>> -> memref<1x128xi32, #tpu.memory_space<hbm>>
          %dma_wait3A_274 = tpu.memref_slice %run_scoped3A_7[%rem3A_267] : memref<2x!tpu.dma_semaphore, #tpu.memory_space<semaphore_mem>> -> memref<1x!tpu.dma_semaphore, #tpu.memory_space<semaphore_mem>>
          %dma_wait3A_275 = tpu.memref_squeeze %dma_wait3A_274 : memref<1x!tpu.dma_semaphore, #tpu.memory_space<semaphore_mem>> -> memref<!tpu.dma_semaphore, #tpu.memory_space<semaphore_mem>>
          %dma_wait3A_276 = arith.constant 0 : i32
          %dma_wait3A_277 = arith.constant 0 : i32
          %dma_wait3A_278 = tpu.memref_slice %run_scoped3A[%rem3A_267, %dma_wait3A_276, %dma_wait3A_277] : memref<2x1x128xi32, #tpu.memory_space<vmem>> -> memref<1x1x128xi32, #tpu.memory_space<vmem>>
          %dma_wait3A_279 = tpu.memref_squeeze %dma_wait3A_278 : memref<1x1x128xi32, #tpu.memory_space<vmem>> -> memref<1x128xi32, #tpu.memory_space<vmem>>
          %dma_wait3A_280 = arith.constant 0 : i32
          %dma_wait3A_281 = tpu.memref_slice %arg3[%dma_wait3A_280, %mul3A_265] : memref<1x32768xi32, #tpu.memory_space<hbm>> -> memref<1x128xi32, #tpu.memory_space<hbm>>
          tpu.wait_dma2 semaphore(%dma_wait3A_275 : memref<!tpu.dma_semaphore, #tpu.memory_space<semaphore_mem>>) src(%dma_wait3A_281 : memref<1x128xi32, #tpu.memory_space<hbm>>) dst(%dma_wait3A_279 : memref<1x128xi32, #tpu.memory_space<vmem>>)
          "tpu.trace_stop"() : () -> ()
        } else {
        }
        %ne3A_185 = arith.cmpi ne, %add3A_131, %add3A_140 : i32
        %or3A_186 = arith.constant false
        %or3A_187 = arith.ori %or3A_186, %ne3A_185 : i1
        %or3A_188 = arith.constant false
        %or3A_189 = arith.ori %or3A_187, %or3A_188 : i1
        %or3A_190 = arith.ori %or3A_189, %eq3A_128 : i1
        %convert_element_type3A_191 = arith.extui %or3A_190 : i1 to i32
        %cond3A_192 = arith.constant 0 : i32
        %cond3A_193 = arith.cmpi ne, %convert_element_type3A_191, %cond3A_192 : i32
        scf.if %cond3A_193 {
        } else {
        }
        %rem3A_194 = arith.constant 2 : i32
        %rem3A_195 = arith.remui %scan3A_123, %rem3A_194 : i32
        %rem3A_196 = arith.constant 2 : i32
        %rem3A_197 = arith.remui %scan3A_124, %rem3A_196 : i32
        %run_scoped3A_198 = arith.constant 0 : i32
        "tpu.trace_start"() <{level = 10 : i32, message = "ep_run_kernel"}> : () -> ()
        "tpu.region"() ({
          %run_scoped3A_264 = tpu.sem_alloc : memref<!tpu.dma_semaphore, #tpu.memory_space<semaphore_mem>>
          %dma_start3A_265 = arith.constant 0 : i32
          %dma_start3A_266 = arith.constant 0 : i32
          %dma_start3A_267 = tpu.memref_slice %run_scoped3A_8[%rem3A_197, %dma_start3A_265, %dma_start3A_266] : memref<2x128x256xf32, #tpu.memory_space<vmem>> -> memref<1x128x256xf32, #tpu.memory_space<vmem>>
          %dma_start3A_268 = tpu.memref_squeeze %dma_start3A_267 : memref<1x128x256xf32, #tpu.memory_space<vmem>> -> memref<128x256xf32, #tpu.memory_space<vmem>>
          %dma_start3A_269 = arith.constant 0 : i32
          %dma_start3A_270 = arith.constant 0 : i32
          %dma_start3A_271 = tpu.memref_slice %run_scoped3A[%rem3A_195, %dma_start3A_269, %dma_start3A_270] : memref<2x1x128xi32, #tpu.memory_space<vmem>> -> memref<1x1x128xi32, #tpu.memory_space<vmem>>
          %dma_start3A_272 = tpu.memref_squeeze %dma_start3A_271 : memref<1x1x128xi32, #tpu.memory_space<vmem>> -> memref<1x128xi32, #tpu.memory_space<vmem>>
          %dma_start3A_273 = arith.constant 0 : i32
          %dma_start3A_274 = tpu.memref_slice %dma_start3A_272[%run_scoped3A_198, %dma_start3A_273] : memref<1x128xi32, #tpu.memory_space<vmem>> -> memref<1x128xi32, #tpu.memory_space<vmem>>
          %dma_start3A_275 = tpu.memref_squeeze %dma_start3A_274 : memref<1x128xi32, #tpu.memory_space<vmem>> -> memref<128xi32, #tpu.memory_space<vmem>>
          %dma_start3A_276 = arith.constant 0 : i32
          %dma_start3A_277 = arith.constant 0 : i32
          %dma_start3A_278 = tpu.memref_slice %arg2[%dma_start3A_276, %dma_start3A_277] : memref<32768x256xf32, #tpu.memory_space<hbm>> -> memref<32768x256xf32, #tpu.memory_space<hbm>>
          tpu.enqueue_indirect_dma source(%dma_start3A_278 : memref<32768x256xf32, #tpu.memory_space<hbm>>) target(%dma_start3A_268 : memref<128x256xf32, #tpu.memory_space<vmem>>) offsets(%dma_start3A_275 : memref<128xi32, #tpu.memory_space<vmem>>) semaphore(%run_scoped3A_264 : memref<!tpu.dma_semaphore, #tpu.memory_space<semaphore_mem>>)
          %dma_wait3A_279 = arith.constant 0 : i32
          %dma_wait3A_280 = arith.constant 0 : i32
          %dma_wait3A_281 = tpu.memref_slice %run_scoped3A_8[%rem3A_197, %dma_wait3A_279, %dma_wait3A_280] : memref<2x128x256xf32, #tpu.memory_space<vmem>> -> memref<1x128x256xf32, #tpu.memory_space<vmem>>
          %dma_wait3A_282 = tpu.memref_squeeze %dma_wait3A_281 : memref<1x128x256xf32, #tpu.memory_space<vmem>> -> memref<128x256xf32, #tpu.memory_space<vmem>>
          %dma_wait3A_283 = arith.constant 0 : i32
          %dma_wait3A_284 = arith.constant 0 : i32
          %dma_wait3A_285 = tpu.memref_slice %run_scoped3A[%rem3A_195, %dma_wait3A_283, %dma_wait3A_284] : memref<2x1x128xi32, #tpu.memory_space<vmem>> -> memref<1x1x128xi32, #tpu.memory_space<vmem>>
          %dma_wait3A_286 = tpu.memref_squeeze %dma_wait3A_285 : memref<1x1x128xi32, #tpu.memory_space<vmem>> -> memref<1x128xi32, #tpu.memory_space<vmem>>
          %dma_wait3A_287 = arith.constant 0 : i32
          %dma_wait3A_288 = tpu.memref_slice %dma_wait3A_286[%run_scoped3A_198, %dma_wait3A_287] : memref<1x128xi32, #tpu.memory_space<vmem>> -> memref<1x128xi32, #tpu.memory_space<vmem>>
          %dma_wait3A_289 = tpu.memref_squeeze %dma_wait3A_288 : memref<1x128xi32, #tpu.memory_space<vmem>> -> memref<128xi32, #tpu.memory_space<vmem>>
          %dma_wait3A_290 = arith.constant 0 : i32
          %dma_wait3A_291 = arith.constant 0 : i32
          %dma_wait3A_292 = tpu.memref_slice %arg2[%dma_wait3A_290, %dma_wait3A_291] : memref<32768x256xf32, #tpu.memory_space<hbm>> -> memref<32768x256xf32, #tpu.memory_space<hbm>>
          tpu.wait_indirect_dma semaphore(%run_scoped3A_264 : memref<!tpu.dma_semaphore, #tpu.memory_space<semaphore_mem>>) src(%dma_wait3A_292 : memref<32768x256xf32, #tpu.memory_space<hbm>>) dst(%dma_wait3A_282 : memref<128x256xf32, #tpu.memory_space<vmem>>)
          tpu.yield
        }) : () -> ()
        "tpu.trace_stop"() : () -> ()
        %ne3A_199 = arith.cmpi ne, %add3A_131, %add3A_149 : i32
        %or3A_200 = arith.constant false
        %or3A_201 = arith.ori %or3A_200, %ne3A_199 : i1
        %or3A_202 = arith.ori %or3A_201, %eq3A_130 : i1
        %convert_element_type3A_203 = arith.extui %or3A_202 : i1 to i32
        %cond3A_204 = arith.constant 0 : i32
        %cond3A_205 = arith.cmpi ne, %convert_element_type3A_203, %cond3A_204 : i32
        scf.if %cond3A_205 {
        } else {
        }
        %and3A_206 = arith.constant false
        %and3A_207 = arith.andi %or3A_202, %and3A_206 : i1
        %ne3A_208 = arith.cmpi ne, %add3A_131, %add3A_149 : i32
        %or3A_209 = arith.constant false
        %or3A_210 = arith.ori %or3A_209, %ne3A_208 : i1
        %or3A_211 = arith.constant false
        %or3A_212 = arith.ori %or3A_210, %or3A_211 : i1
        %or3A_213 = arith.ori %or3A_212, %eq3A_130 : i1
        %convert_element_type3A_214 = arith.extui %or3A_213 : i1 to i32
        %cond3A_215 = arith.constant 0 : i32
        %cond3A_216 = arith.cmpi ne, %convert_element_type3A_214, %cond3A_215 : i32
        scf.if %cond3A_216 {
          "tpu.trace_start"() <{level = 10 : i32, message = "ep_copy_out"}> : () -> ()
          %rem3A_264 = arith.constant 2 : i32
          %rem3A_265 = arith.remui %scan3A_124, %rem3A_264 : i32
          %mul3A_266 = arith.constant 128 : i32
          %mul3A_267 = arith.muli %mul3A_266, %add3A_131 : i32
          %dma_start3A_268 = arith.constant 0 : i32
          %dma_start3A_269 = arith.constant 0 : i32
          %dma_start3A_270 = tpu.memref_slice %run_scoped3A_8[%rem3A_265, %dma_start3A_268, %dma_start3A_269] : memref<2x128x256xf32, #tpu.memory_space<vmem>> -> memref<1x128x256xf32, #tpu.memory_space<vmem>>
          %dma_start3A_271 = tpu.memref_squeeze %dma_start3A_270 : memref<1x128x256xf32, #tpu.memory_space<vmem>> -> memref<128x256xf32, #tpu.memory_space<vmem>>
          %dma_start3A_272 = arith.constant 0 : i32
          %dma_start3A_273 = tpu.memref_slice %arg4[%mul3A_267, %dma_start3A_272] : memref<32768x256xf32, #tpu.memory_space<hbm>> -> memref<128x256xf32, #tpu.memory_space<hbm>>
          %dma_start3A_274 = tpu.memref_slice %run_scoped3A_9[%rem3A_265] : memref<2x!tpu.dma_semaphore, #tpu.memory_space<semaphore_mem>> -> memref<1x!tpu.dma_semaphore, #tpu.memory_space<semaphore_mem>>
          %dma_start3A_275 = tpu.memref_squeeze %dma_start3A_274 : memref<1x!tpu.dma_semaphore, #tpu.memory_space<semaphore_mem>> -> memref<!tpu.dma_semaphore, #tpu.memory_space<semaphore_mem>>
          %dma_start3A_276 = arith.constant 0 : i32
          %dma_start3A_277 = tpu.memref_slice %arg4[%mul3A_267, %dma_start3A_276] : memref<32768x256xf32, #tpu.memory_space<hbm>> -> memref<128x256xf32, #tpu.memory_space<hbm>>
          %dma_start3A_278 = arith.constant 0 : i32
          %dma_start3A_279 = arith.constant 0 : i32
          %dma_start3A_280 = tpu.memref_slice %run_scoped3A_8[%rem3A_265, %dma_start3A_278, %dma_start3A_279] : memref<2x128x256xf32, #tpu.memory_space<vmem>> -> memref<1x128x256xf32, #tpu.memory_space<vmem>>
          %dma_start3A_281 = tpu.memref_squeeze %dma_start3A_280 : memref<1x128x256xf32, #tpu.memory_space<vmem>> -> memref<128x256xf32, #tpu.memory_space<vmem>>
          tpu.enqueue_dma source(%dma_start3A_281 : memref<128x256xf32, #tpu.memory_space<vmem>>) target(%dma_start3A_277 : memref<128x256xf32, #tpu.memory_space<hbm>>) target_semaphore(%dma_start3A_275 : memref<!tpu.dma_semaphore, #tpu.memory_space<semaphore_mem>>)
          "tpu.trace_stop"() : () -> ()
        } else {
        }
        %and3A_217 = arith.constant true
        %and3A_218 = arith.andi %or3A_213, %and3A_217 : i1
        %add3A_219 = arith.constant 1 : i32
        %add3A_220 = arith.addi %scan3A_124, %add3A_219 : i32
        %select_n3A_221 = arith.select %and3A_218, %add3A_220, %scan3A_124 : i32
        %ne3A_222 = arith.cmpi ne, %add3A_131, %add3A_140 : i32
        %or3A_223 = arith.constant false
        %or3A_224 = arith.ori %or3A_223, %ne3A_222 : i1
        %not3A_225 = arith.constant true
        %not3A_226 = arith.xori %eq3A_128, %not3A_225 : i1
        %and3A_227 = arith.andi %or3A_224, %not3A_226 : i1
        %convert_element_type3A_228 = arith.extui %and3A_227 : i1 to i32
        %cond3A_229 = arith.constant 0 : i32
        %cond3A_230 = arith.cmpi ne, %convert_element_type3A_228, %cond3A_229 : i32
        scf.if %cond3A_230 {
        } else {
        }
        %and3A_231 = arith.constant false
        %and3A_232 = arith.andi %and3A_227, %and3A_231 : i1
        %ne3A_233 = arith.cmpi ne, %add3A_131, %add3A_140 : i32
        %or3A_234 = arith.constant false
        %or3A_235 = arith.ori %or3A_234, %ne3A_233 : i1
        %or3A_236 = arith.constant false
        %or3A_237 = arith.ori %or3A_235, %or3A_236 : i1
        %not3A_238 = arith.constant true
        %not3A_239 = arith.xori %eq3A_128, %not3A_238 : i1
        %and3A_240 = arith.andi %or3A_237, %not3A_239 : i1
        %convert_element_type3A_241 = arith.extui %and3A_240 : i1 to i32
        %cond3A_242 = arith.constant 0 : i32
        %cond3A_243 = arith.cmpi ne, %convert_element_type3A_241, %cond3A_242 : i32
        scf.if %cond3A_243 {
          "tpu.trace_start"() <{level = 10 : i32, message = "ep_wait_out"}> : () -> ()
          %rem3A_264 = arith.constant 2 : i32
          %rem3A_265 = arith.remui %scan3A_125, %rem3A_264 : i32
          %mul3A_266 = arith.constant 128 : i32
          %mul3A_267 = arith.muli %mul3A_266, %add3A_140 : i32
          %dma_wait3A_268 = arith.constant 0 : i32
          %dma_wait3A_269 = arith.constant 0 : i32
          %dma_wait3A_270 = tpu.memref_slice %run_scoped3A_8[%rem3A_265, %dma_wait3A_268, %dma_wait3A_269] : memref<2x128x256xf32, #tpu.memory_space<vmem>> -> memref<1x128x256xf32, #tpu.memory_space<vmem>>
          %dma_wait3A_271 = tpu.memref_squeeze %dma_wait3A_270 : memref<1x128x256xf32, #tpu.memory_space<vmem>> -> memref<128x256xf32, #tpu.memory_space<vmem>>
          %dma_wait3A_272 = arith.constant 0 : i32
          %dma_wait3A_273 = tpu.memref_slice %arg4[%mul3A_267, %dma_wait3A_272] : memref<32768x256xf32, #tpu.memory_space<hbm>> -> memref<128x256xf32, #tpu.memory_space<hbm>>
          %dma_wait3A_274 = tpu.memref_slice %run_scoped3A_9[%rem3A_265] : memref<2x!tpu.dma_semaphore, #tpu.memory_space<semaphore_mem>> -> memref<1x!tpu.dma_semaphore, #tpu.memory_space<semaphore_mem>>
          %dma_wait3A_275 = tpu.memref_squeeze %dma_wait3A_274 : memref<1x!tpu.dma_semaphore, #tpu.memory_space<semaphore_mem>> -> memref<!tpu.dma_semaphore, #tpu.memory_space<semaphore_mem>>
          %dma_wait3A_276 = arith.constant 0 : i32
          %dma_wait3A_277 = tpu.memref_slice %arg4[%mul3A_267, %dma_wait3A_276] : memref<32768x256xf32, #tpu.memory_space<hbm>> -> memref<128x256xf32, #tpu.memory_space<hbm>>
          %dma_wait3A_278 = arith.constant 0 : i32
          %dma_wait3A_279 = arith.constant 0 : i32
          %dma_wait3A_280 = tpu.memref_slice %run_scoped3A_8[%rem3A_265, %dma_wait3A_278, %dma_wait3A_279] : memref<2x128x256xf32, #tpu.memory_space<vmem>> -> memref<1x128x256xf32, #tpu.memory_space<vmem>>
          %dma_wait3A_281 = tpu.memref_squeeze %dma_wait3A_280 : memref<1x128x256xf32, #tpu.memory_space<vmem>> -> memref<128x256xf32, #tpu.memory_space<vmem>>
          tpu.wait_dma2 semaphore(%dma_wait3A_275 : memref<!tpu.dma_semaphore, #tpu.memory_space<semaphore_mem>>) src(%dma_wait3A_281 : memref<128x256xf32, #tpu.memory_space<vmem>>) dst(%dma_wait3A_277 : memref<128x256xf32, #tpu.memory_space<hbm>>)
          "tpu.trace_stop"() : () -> ()
        } else {
        }
        %and3A_244 = arith.constant true
        %and3A_245 = arith.andi %and3A_240, %and3A_244 : i1
        %add3A_246 = arith.constant 1 : i32
        %add3A_247 = arith.addi %scan3A_125, %add3A_246 : i32
        %select_n3A_248 = arith.select %and3A_245, %add3A_247, %scan3A_125 : i32
        %ne3A_249 = arith.cmpi ne, %add3A_131, %add3A_149 : i32
        %or3A_250 = arith.constant false
        %or3A_251 = arith.ori %or3A_250, %ne3A_249 : i1
        %or3A_252 = arith.ori %or3A_251, %eq3A_130 : i1
        %add3A_253 = arith.constant 1 : i32
        %add3A_254 = arith.addi %scan3A_123, %add3A_253 : i32
        %select_n3A_255 = arith.select %or3A_252, %add3A_254, %scan3A_123 : i32
        %add3A_256 = arith.constant 1 : i32
        %add3A_257 = arith.addi %scan3A_126, %add3A_256 : i32
        %select_n3A_258 = arith.constant true
        %select_n3A_259 = arith.select %select_n3A_258, %add3A_257, %scan3A_126 : i32
        %eq3A_260 = arith.constant 8 : i32
        %eq3A_261 = arith.cmpi eq, %select_n3A_259, %eq3A_260 : i32
        %select_n3A_262 = arith.constant 0 : i32
        %select_n3A_263 = arith.select %eq3A_261, %select_n3A_262, %select_n3A_259 : i32
        scf.yield %select_n3A_167, %select_n3A_255, %select_n3A_221, %select_n3A_248, %select_n3A_263 : i32, i32, i32, i32, i32
      }
      %scan3A_68 = arith.constant 8 : i32
      %sub3A = arith.constant 1 : i32
      %sub3A_69 = arith.subi %scan3A_67#4, %sub3A : i32
      %select_n3A_70 = arith.constant true
      %select_n3A_71 = arith.select %select_n3A_70, %sub3A_69, %scan3A_67#4 : i32
      %eq3A_72 = arith.constant -1 : i32
      %eq3A_73 = arith.cmpi eq, %select_n3A_71, %eq3A_72 : i32
      %select_n3A_74 = arith.constant 7 : i32
      %select_n3A_75 = arith.select %eq3A_73, %select_n3A_74, %select_n3A_71 : i32
      %add3A_76 = arith.addi %select_n3A_75, %mul3A_6 : i32
      %sub3A_77 = arith.constant 1 : i32
      %sub3A_78 = arith.subi %select_n3A_75, %sub3A_77 : i32
      %select_n3A_79 = arith.constant true
      %select_n3A_80 = arith.select %select_n3A_79, %sub3A_78, %select_n3A_75 : i32
      %eq3A_81 = arith.constant -1 : i32
      %eq3A_82 = arith.cmpi eq, %select_n3A_80, %eq3A_81 : i32
      %select_n3A_83 = arith.constant 7 : i32
      %select_n3A_84 = arith.select %eq3A_82, %select_n3A_83, %select_n3A_80 : i32
      %add3A_85 = arith.addi %select_n3A_84, %mul3A_6 : i32
      %add3A_86 = arith.constant 1 : i32
      %add3A_87 = arith.addi %select_n3A_75, %add3A_86 : i32
      %select_n3A_88 = arith.constant true
      %select_n3A_89 = arith.select %select_n3A_88, %add3A_87, %select_n3A_75 : i32
      %eq3A_90 = arith.constant 8 : i32
      %eq3A_91 = arith.cmpi eq, %select_n3A_89, %eq3A_90 : i32
      %select_n3A_92 = arith.constant 0 : i32
      %select_n3A_93 = arith.select %eq3A_91, %select_n3A_92, %select_n3A_89 : i32
      %add3A_94 = arith.addi %select_n3A_93, %mul3A_6 : i32
      %add3A_95 = arith.constant 1 : i32
      %add3A_96 = arith.addi %select_n3A_93, %add3A_95 : i32
      %select_n3A_97 = arith.constant true
      %select_n3A_98 = arith.select %select_n3A_97, %add3A_96, %select_n3A_93 : i32
      %eq3A_99 = arith.constant 8 : i32
      %eq3A_100 = arith.cmpi eq, %select_n3A_98, %eq3A_99 : i32
      %select_n3A_101 = arith.constant 0 : i32
      %select_n3A_102 = arith.select %eq3A_100, %select_n3A_101, %select_n3A_98 : i32
      %add3A_103 = arith.addi %select_n3A_102, %mul3A_6 : i32
      "tpu.trace_start"() <{level = 10 : i32, message = "ep_finalize"}> : () -> ()
      %rem3A_104 = arith.constant 2 : i32
      %rem3A_105 = arith.remui %scan3A_67#3, %rem3A_104 : i32
      %mul3A_106 = arith.constant 128 : i32
      %mul3A_107 = arith.muli %mul3A_106, %add3A_76 : i32
      %dma_wait3A = arith.constant 0 : i32
      %dma_wait3A_108 = arith.constant 0 : i32
      %dma_wait3A_109 = tpu.memref_slice %run_scoped3A_8[%rem3A_105, %dma_wait3A, %dma_wait3A_108] : memref<2x128x256xf32, #tpu.memory_space<vmem>> -> memref<1x128x256xf32, #tpu.memory_space<vmem>>
      %dma_wait3A_110 = tpu.memref_squeeze %dma_wait3A_109 : memref<1x128x256xf32, #tpu.memory_space<vmem>> -> memref<128x256xf32, #tpu.memory_space<vmem>>
      %dma_wait3A_111 = arith.constant 0 : i32
      %dma_wait3A_112 = tpu.memref_slice %arg4[%mul3A_107, %dma_wait3A_111] : memref<32768x256xf32, #tpu.memory_space<hbm>> -> memref<128x256xf32, #tpu.memory_space<hbm>>
      %dma_wait3A_113 = tpu.memref_slice %run_scoped3A_9[%rem3A_105] : memref<2x!tpu.dma_semaphore, #tpu.memory_space<semaphore_mem>> -> memref<1x!tpu.dma_semaphore, #tpu.memory_space<semaphore_mem>>
      %dma_wait3A_114 = tpu.memref_squeeze %dma_wait3A_113 : memref<1x!tpu.dma_semaphore, #tpu.memory_space<semaphore_mem>> -> memref<!tpu.dma_semaphore, #tpu.memory_space<semaphore_mem>>
      %dma_wait3A_115 = arith.constant 0 : i32
      %dma_wait3A_116 = tpu.memref_slice %arg4[%mul3A_107, %dma_wait3A_115] : memref<32768x256xf32, #tpu.memory_space<hbm>> -> memref<128x256xf32, #tpu.memory_space<hbm>>
      %dma_wait3A_117 = arith.constant 0 : i32
      %dma_wait3A_118 = arith.constant 0 : i32
      %dma_wait3A_119 = tpu.memref_slice %run_scoped3A_8[%rem3A_105, %dma_wait3A_117, %dma_wait3A_118] : memref<2x128x256xf32, #tpu.memory_space<vmem>> -> memref<1x128x256xf32, #tpu.memory_space<vmem>>
      %dma_wait3A_120 = tpu.memref_squeeze %dma_wait3A_119 : memref<1x128x256xf32, #tpu.memory_space<vmem>> -> memref<128x256xf32, #tpu.memory_space<vmem>>
      tpu.wait_dma2 semaphore(%dma_wait3A_114 : memref<!tpu.dma_semaphore, #tpu.memory_space<semaphore_mem>>) src(%dma_wait3A_120 : memref<128x256xf32, #tpu.memory_space<vmem>>) dst(%dma_wait3A_116 : memref<128x256xf32, #tpu.memory_space<hbm>>)
      "tpu.trace_stop"() : () -> ()
      tpu.yield
    }) : () -> ()
    return
  }
}

module attributes {stable_mosaic.version = 14 : i64} {
  func.func @_vq_kernel(%arg0: i32, %arg1: i32, %arg2: memref<8x1x256x256xf32, #tpu.memory_space<vmem>>, %arg3: memref<8x1x1x256xf32, #tpu.memory_space<vmem>>, %arg4: memref<8x1x1x256xf32, #tpu.memory_space<vmem>>, %arg5: memref<1024x256xf32, #tpu.memory_space<vmem>>, %arg6: memref<1x256x256xf32, #tpu.memory_space<vmem>>) attributes {dimension_semantics = [#tpu.dimension_semantics<arbitrary>, #tpu.dimension_semantics<arbitrary>], iteration_bounds = array<i64: 2, 8>, scalar_prefetch = 0 : i64, scratch_operands = 0 : i64, tpu.core_type = #tpu.core_type<tc>, window_params = [{transform_indices = @transform_0, window_bounds = array<i64: 8, 1, 256, 256>}, {transform_indices = @transform_1, window_bounds = array<i64: 8, 1, 1, 256>}, {transform_indices = @transform_2, window_bounds = array<i64: 8, 1, 1, 256>}, {pipeline_mode = #tpu.pipeline_mode<synchronous>, transform_indices = @transform_3, window_bounds = array<i64: 1024, 256>}, {transform_indices = @transform_4, window_bounds = array<i64: 1, 256, 256>}]} {
    %get3A = arith.constant 0 : index
    %get3A_0 = arith.constant 0 : index
    %get3A_1 = vector.load %arg5[%get3A, %get3A_0] : memref<1024x256xf32, #tpu.memory_space<vmem>>, vector<1024x256xf32>
    %get3A_2 = arith.constant 0 : index
    %get3A_3 = arith.constant 0 : index
    %get3A_4 = arith.constant 0 : index
    %get3A_5 = arith.constant 0 : index
    %get3A_6 = vector.load %arg2[%get3A_2, %get3A_3, %get3A_4, %get3A_5] : memref<8x1x256x256xf32, #tpu.memory_space<vmem>>, vector<8x1x256x256xf32>
    %reshape3A = vector.shape_cast %get3A_6 : vector<8x1x256x256xf32> to vector<8x256x256xf32>
    %get3A_7 = arith.constant 0 : index
    %get3A_8 = arith.constant 0 : index
    %get3A_9 = arith.constant 0 : index
    %get3A_10 = arith.constant 0 : index
    %get3A_11 = vector.load %arg4[%get3A_7, %get3A_8, %get3A_9, %get3A_10] : memref<8x1x1x256xf32, #tpu.memory_space<vmem>>, vector<8x1x1x256xf32>
    %reshape3A_12 = vector.shape_cast %get3A_11 : vector<8x1x1x256xf32> to vector<8x256x1xf32>
    %get3A_13 = arith.constant 0 : index
    %get3A_14 = arith.constant 0 : index
    %get3A_15 = arith.constant 0 : index
    %get3A_16 = arith.constant 0 : index
    %get3A_17 = vector.load %arg3[%get3A_13, %get3A_14, %get3A_15, %get3A_16] : memref<8x1x1x256xf32, #tpu.memory_space<vmem>>, vector<8x1x1x256xf32>
    %reshape3A_18 = vector.shape_cast %get3A_17 : vector<8x1x1x256xf32> to vector<8x256x1xf32>
    %mul3A = vector.broadcast %reshape3A_12 : vector<8x256x1xf32> to vector<8x256x256xf32>
    %mul3A_19 = arith.mulf %reshape3A, %mul3A : vector<8x256x256xf32>
    %reshape3A_20 = vector.shape_cast %mul3A_19 : vector<8x256x256xf32> to vector<2048x256xf32>
    %mul3A_21 = arith.mulf %reshape3A_20, %reshape3A_20 : vector<2048x256xf32>
    %reduce_sum3A = arith.constant dense<0.000000e+00> : vector<2048xf32>
    %reduce_sum3A_22 = vector.multi_reduction <add>, %mul3A_21, %reduce_sum3A [1] : vector<2048x256xf32> to vector<2048xf32>
    %broadcast_in_dim3A = vector.shape_cast %reduce_sum3A_22 : vector<2048xf32> to vector<2048x1xf32>
    %mul3A_23 = arith.constant 2.500000e-01 : f32
    %mul3A_24 = vector.broadcast %mul3A_23 : f32 to vector<2048x1xf32>
    %mul3A_25 = arith.mulf %broadcast_in_dim3A, %mul3A_24 : vector<2048x1xf32>
    %dot_general3A = arith.constant dense<0.000000e+00> : vector<2048x1024xf32>
    %dot_general3A_26 = tpu.matmul %reshape3A_20, %get3A_1, %dot_general3A {dimension_numbers = #tpu.dot_dimension_numbers<[1], [1], [0], [0], [0, 0, 1, 0], [], []>, transpose_lhs_hint = false} : vector<2048x256xf32>, vector<1024x256xf32>, vector<2048x1024xf32> -> vector<2048x1024xf32>
    %mul3A_27 = arith.mulf %get3A_1, %get3A_1 : vector<1024x256xf32>
    %reduce_sum3A_28 = arith.constant dense<0.000000e+00> : vector<1024xf32>
    %reduce_sum3A_29 = vector.multi_reduction <add>, %mul3A_27, %reduce_sum3A_28 [1] : vector<1024x256xf32> to vector<1024xf32>
    %add3A = vector.broadcast %mul3A_25 : vector<2048x1xf32> to vector<2048x1024xf32>
    %add3A_30 = arith.addf %add3A, %dot_general3A_26 : vector<2048x1024xf32>
    %broadcast_in_dim3A_31 = vector.shape_cast %reduce_sum3A_29 : vector<1024xf32> to vector<1x1024xf32>
    %add3A_32 = vector.broadcast %broadcast_in_dim3A_31 : vector<1x1024xf32> to vector<2048x1024xf32>
    %add3A_33 = arith.addf %add3A_30, %add3A_32 : vector<2048x1024xf32>
    %reduce_min3A = arith.constant dense<0x7F800000> : vector<2048xf32>
    %reduce_min3A_34 = vector.multi_reduction <minimumf>, %add3A_33, %reduce_min3A [1] : vector<2048x1024xf32> to vector<2048xf32>
    %broadcast_in_dim3A_35 = vector.shape_cast %reduce_min3A_34 : vector<2048xf32> to vector<2048x1xf32>
    %iota3A = tpu.iota {dimensions = array<i32: 1>} : vector<2048x1024xi32>
    %convert_element_type3A = arith.sitofp %iota3A : vector<2048x1024xi32> to vector<2048x1024xf32>
    %eq3A = vector.broadcast %broadcast_in_dim3A_35 : vector<2048x1xf32> to vector<2048x1024xf32>
    %eq3A_36 = arith.cmpf oeq, %add3A_33, %eq3A : vector<2048x1024xf32>
    %jit3A = arith.constant 1.024000e+03 : f32
    %broadcast_in_dim3A_37 = vector.broadcast %jit3A : f32 to vector<2048x1024xf32>
    %select_n3A = arith.select %eq3A_36, %convert_element_type3A, %broadcast_in_dim3A_37 : vector<2048x1024xi1>, vector<2048x1024xf32>
    %reduce_min3A_38 = arith.constant dense<0x7F800000> : vector<2048xf32>
    %reduce_min3A_39 = vector.multi_reduction <minimumf>, %select_n3A, %reduce_min3A_38 [1] : vector<2048x1024xf32> to vector<2048xf32>
    %broadcast_in_dim3A_40 = vector.shape_cast %reduce_min3A_39 : vector<2048xf32> to vector<2048x1xf32>
    %reshape3A_41 = vector.shape_cast %broadcast_in_dim3A_40 : vector<2048x1xf32> to vector<8x256x1xf32>
    %slice3A = vector.extract_strided_slice %convert_element_type3A {offsets = [0, 0], sizes = [256, 1024], strides = [1, 1]} : vector<2048x1024xf32> to vector<256x1024xf32>
    %slice3A_42 = vector.extract_strided_slice %reshape3A_41 {offsets = [0, 0, 0], sizes = [1, 256, 1], strides = [1, 1, 1]} : vector<8x256x1xf32> to vector<1x256x1xf32>
    %squeeze3A = vector.shape_cast %slice3A_42 : vector<1x256x1xf32> to vector<256x1xf32>
    %eq3A_43 = vector.broadcast %squeeze3A : vector<256x1xf32> to vector<256x1024xf32>
    %eq3A_44 = arith.cmpf oeq, %eq3A_43, %slice3A : vector<256x1024xf32>
    %slice3A_45 = vector.extract_strided_slice %reshape3A_18 {offsets = [0, 0, 0], sizes = [1, 256, 1], strides = [1, 1, 1]} : vector<8x256x1xf32> to vector<1x256x1xf32>
    %squeeze3A_46 = vector.shape_cast %slice3A_45 : vector<1x256x1xf32> to vector<256x1xf32>
    %jit3A_47 = arith.constant 0.000000e+00 : f32
    %broadcast_in_dim3A_48 = vector.shape_cast %squeeze3A_46 : vector<256x1xf32> to vector<256x1xf32>
    %broadcast_in_dim3A_49 = vector.broadcast %broadcast_in_dim3A_48 : vector<256x1xf32> to vector<256x1024xf32>
    %broadcast_in_dim3A_50 = vector.broadcast %jit3A_47 : f32 to vector<256x1024xf32>
    %select_n3A_51 = arith.select %eq3A_44, %broadcast_in_dim3A_49, %broadcast_in_dim3A_50 : vector<256x1024xi1>, vector<256x1024xf32>
    %slice3A_52 = vector.extract_strided_slice %reshape3A_41 {offsets = [1, 0, 0], sizes = [1, 256, 1], strides = [1, 1, 1]} : vector<8x256x1xf32> to vector<1x256x1xf32>
    %squeeze3A_53 = vector.shape_cast %slice3A_52 : vector<1x256x1xf32> to vector<256x1xf32>
    %eq3A_54 = vector.broadcast %squeeze3A_53 : vector<256x1xf32> to vector<256x1024xf32>
    %eq3A_55 = arith.cmpf oeq, %eq3A_54, %slice3A : vector<256x1024xf32>
    %slice3A_56 = vector.extract_strided_slice %reshape3A_18 {offsets = [1, 0, 0], sizes = [1, 256, 1], strides = [1, 1, 1]} : vector<8x256x1xf32> to vector<1x256x1xf32>
    %squeeze3A_57 = vector.shape_cast %slice3A_56 : vector<1x256x1xf32> to vector<256x1xf32>
    %jit3A_58 = arith.constant 0.000000e+00 : f32
    %broadcast_in_dim3A_59 = vector.shape_cast %squeeze3A_57 : vector<256x1xf32> to vector<256x1xf32>
    %broadcast_in_dim3A_60 = vector.broadcast %broadcast_in_dim3A_59 : vector<256x1xf32> to vector<256x1024xf32>
    %broadcast_in_dim3A_61 = vector.broadcast %jit3A_58 : f32 to vector<256x1024xf32>
    %select_n3A_62 = arith.select %eq3A_55, %broadcast_in_dim3A_60, %broadcast_in_dim3A_61 : vector<256x1024xi1>, vector<256x1024xf32>
    %add3A_63 = arith.addf %select_n3A_51, %select_n3A_62 : vector<256x1024xf32>
    %slice3A_64 = vector.extract_strided_slice %reshape3A_41 {offsets = [2, 0, 0], sizes = [1, 256, 1], strides = [1, 1, 1]} : vector<8x256x1xf32> to vector<1x256x1xf32>
    %squeeze3A_65 = vector.shape_cast %slice3A_64 : vector<1x256x1xf32> to vector<256x1xf32>
    %eq3A_66 = vector.broadcast %squeeze3A_65 : vector<256x1xf32> to vector<256x1024xf32>
    %eq3A_67 = arith.cmpf oeq, %eq3A_66, %slice3A : vector<256x1024xf32>
    %slice3A_68 = vector.extract_strided_slice %reshape3A_18 {offsets = [2, 0, 0], sizes = [1, 256, 1], strides = [1, 1, 1]} : vector<8x256x1xf32> to vector<1x256x1xf32>
    %squeeze3A_69 = vector.shape_cast %slice3A_68 : vector<1x256x1xf32> to vector<256x1xf32>
    %jit3A_70 = arith.constant 0.000000e+00 : f32
    %broadcast_in_dim3A_71 = vector.shape_cast %squeeze3A_69 : vector<256x1xf32> to vector<256x1xf32>
    %broadcast_in_dim3A_72 = vector.broadcast %broadcast_in_dim3A_71 : vector<256x1xf32> to vector<256x1024xf32>
    %broadcast_in_dim3A_73 = vector.broadcast %jit3A_70 : f32 to vector<256x1024xf32>
    %select_n3A_74 = arith.select %eq3A_67, %broadcast_in_dim3A_72, %broadcast_in_dim3A_73 : vector<256x1024xi1>, vector<256x1024xf32>
    %add3A_75 = arith.addf %add3A_63, %select_n3A_74 : vector<256x1024xf32>
    %slice3A_76 = vector.extract_strided_slice %reshape3A_41 {offsets = [3, 0, 0], sizes = [1, 256, 1], strides = [1, 1, 1]} : vector<8x256x1xf32> to vector<1x256x1xf32>
    %squeeze3A_77 = vector.shape_cast %slice3A_76 : vector<1x256x1xf32> to vector<256x1xf32>
    %eq3A_78 = vector.broadcast %squeeze3A_77 : vector<256x1xf32> to vector<256x1024xf32>
    %eq3A_79 = arith.cmpf oeq, %eq3A_78, %slice3A : vector<256x1024xf32>
    %slice3A_80 = vector.extract_strided_slice %reshape3A_18 {offsets = [3, 0, 0], sizes = [1, 256, 1], strides = [1, 1, 1]} : vector<8x256x1xf32> to vector<1x256x1xf32>
    %squeeze3A_81 = vector.shape_cast %slice3A_80 : vector<1x256x1xf32> to vector<256x1xf32>
    %jit3A_82 = arith.constant 0.000000e+00 : f32
    %broadcast_in_dim3A_83 = vector.shape_cast %squeeze3A_81 : vector<256x1xf32> to vector<256x1xf32>
    %broadcast_in_dim3A_84 = vector.broadcast %broadcast_in_dim3A_83 : vector<256x1xf32> to vector<256x1024xf32>
    %broadcast_in_dim3A_85 = vector.broadcast %jit3A_82 : f32 to vector<256x1024xf32>
    %select_n3A_86 = arith.select %eq3A_79, %broadcast_in_dim3A_84, %broadcast_in_dim3A_85 : vector<256x1024xi1>, vector<256x1024xf32>
    %add3A_87 = arith.addf %add3A_75, %select_n3A_86 : vector<256x1024xf32>
    %slice3A_88 = vector.extract_strided_slice %reshape3A_41 {offsets = [4, 0, 0], sizes = [1, 256, 1], strides = [1, 1, 1]} : vector<8x256x1xf32> to vector<1x256x1xf32>
    %squeeze3A_89 = vector.shape_cast %slice3A_88 : vector<1x256x1xf32> to vector<256x1xf32>
    %eq3A_90 = vector.broadcast %squeeze3A_89 : vector<256x1xf32> to vector<256x1024xf32>
    %eq3A_91 = arith.cmpf oeq, %eq3A_90, %slice3A : vector<256x1024xf32>
    %slice3A_92 = vector.extract_strided_slice %reshape3A_18 {offsets = [4, 0, 0], sizes = [1, 256, 1], strides = [1, 1, 1]} : vector<8x256x1xf32> to vector<1x256x1xf32>
    %squeeze3A_93 = vector.shape_cast %slice3A_92 : vector<1x256x1xf32> to vector<256x1xf32>
    %jit3A_94 = arith.constant 0.000000e+00 : f32
    %broadcast_in_dim3A_95 = vector.shape_cast %squeeze3A_93 : vector<256x1xf32> to vector<256x1xf32>
    %broadcast_in_dim3A_96 = vector.broadcast %broadcast_in_dim3A_95 : vector<256x1xf32> to vector<256x1024xf32>
    %broadcast_in_dim3A_97 = vector.broadcast %jit3A_94 : f32 to vector<256x1024xf32>
    %select_n3A_98 = arith.select %eq3A_91, %broadcast_in_dim3A_96, %broadcast_in_dim3A_97 : vector<256x1024xi1>, vector<256x1024xf32>
    %add3A_99 = arith.addf %add3A_87, %select_n3A_98 : vector<256x1024xf32>
    %slice3A_100 = vector.extract_strided_slice %reshape3A_41 {offsets = [5, 0, 0], sizes = [1, 256, 1], strides = [1, 1, 1]} : vector<8x256x1xf32> to vector<1x256x1xf32>
    %squeeze3A_101 = vector.shape_cast %slice3A_100 : vector<1x256x1xf32> to vector<256x1xf32>
    %eq3A_102 = vector.broadcast %squeeze3A_101 : vector<256x1xf32> to vector<256x1024xf32>
    %eq3A_103 = arith.cmpf oeq, %eq3A_102, %slice3A : vector<256x1024xf32>
    %slice3A_104 = vector.extract_strided_slice %reshape3A_18 {offsets = [5, 0, 0], sizes = [1, 256, 1], strides = [1, 1, 1]} : vector<8x256x1xf32> to vector<1x256x1xf32>
    %squeeze3A_105 = vector.shape_cast %slice3A_104 : vector<1x256x1xf32> to vector<256x1xf32>
    %jit3A_106 = arith.constant 0.000000e+00 : f32
    %broadcast_in_dim3A_107 = vector.shape_cast %squeeze3A_105 : vector<256x1xf32> to vector<256x1xf32>
    %broadcast_in_dim3A_108 = vector.broadcast %broadcast_in_dim3A_107 : vector<256x1xf32> to vector<256x1024xf32>
    %broadcast_in_dim3A_109 = vector.broadcast %jit3A_106 : f32 to vector<256x1024xf32>
    %select_n3A_110 = arith.select %eq3A_103, %broadcast_in_dim3A_108, %broadcast_in_dim3A_109 : vector<256x1024xi1>, vector<256x1024xf32>
    %add3A_111 = arith.addf %add3A_99, %select_n3A_110 : vector<256x1024xf32>
    %slice3A_112 = vector.extract_strided_slice %reshape3A_41 {offsets = [6, 0, 0], sizes = [1, 256, 1], strides = [1, 1, 1]} : vector<8x256x1xf32> to vector<1x256x1xf32>
    %squeeze3A_113 = vector.shape_cast %slice3A_112 : vector<1x256x1xf32> to vector<256x1xf32>
    %eq3A_114 = vector.broadcast %squeeze3A_113 : vector<256x1xf32> to vector<256x1024xf32>
    %eq3A_115 = arith.cmpf oeq, %eq3A_114, %slice3A : vector<256x1024xf32>
    %slice3A_116 = vector.extract_strided_slice %reshape3A_18 {offsets = [6, 0, 0], sizes = [1, 256, 1], strides = [1, 1, 1]} : vector<8x256x1xf32> to vector<1x256x1xf32>
    %squeeze3A_117 = vector.shape_cast %slice3A_116 : vector<1x256x1xf32> to vector<256x1xf32>
    %jit3A_118 = arith.constant 0.000000e+00 : f32
    %broadcast_in_dim3A_119 = vector.shape_cast %squeeze3A_117 : vector<256x1xf32> to vector<256x1xf32>
    %broadcast_in_dim3A_120 = vector.broadcast %broadcast_in_dim3A_119 : vector<256x1xf32> to vector<256x1024xf32>
    %broadcast_in_dim3A_121 = vector.broadcast %jit3A_118 : f32 to vector<256x1024xf32>
    %select_n3A_122 = arith.select %eq3A_115, %broadcast_in_dim3A_120, %broadcast_in_dim3A_121 : vector<256x1024xi1>, vector<256x1024xf32>
    %add3A_123 = arith.addf %add3A_111, %select_n3A_122 : vector<256x1024xf32>
    %slice3A_124 = vector.extract_strided_slice %reshape3A_41 {offsets = [7, 0, 0], sizes = [1, 256, 1], strides = [1, 1, 1]} : vector<8x256x1xf32> to vector<1x256x1xf32>
    %squeeze3A_125 = vector.shape_cast %slice3A_124 : vector<1x256x1xf32> to vector<256x1xf32>
    %eq3A_126 = vector.broadcast %squeeze3A_125 : vector<256x1xf32> to vector<256x1024xf32>
    %eq3A_127 = arith.cmpf oeq, %eq3A_126, %slice3A : vector<256x1024xf32>
    %slice3A_128 = vector.extract_strided_slice %reshape3A_18 {offsets = [7, 0, 0], sizes = [1, 256, 1], strides = [1, 1, 1]} : vector<8x256x1xf32> to vector<1x256x1xf32>
    %squeeze3A_129 = vector.shape_cast %slice3A_128 : vector<1x256x1xf32> to vector<256x1xf32>
    %jit3A_130 = arith.constant 0.000000e+00 : f32
    %broadcast_in_dim3A_131 = vector.shape_cast %squeeze3A_129 : vector<256x1xf32> to vector<256x1xf32>
    %broadcast_in_dim3A_132 = vector.broadcast %broadcast_in_dim3A_131 : vector<256x1xf32> to vector<256x1024xf32>
    %broadcast_in_dim3A_133 = vector.broadcast %jit3A_130 : f32 to vector<256x1024xf32>
    %select_n3A_134 = arith.select %eq3A_127, %broadcast_in_dim3A_132, %broadcast_in_dim3A_133 : vector<256x1024xi1>, vector<256x1024xf32>
    %add3A_135 = arith.addf %add3A_123, %select_n3A_134 : vector<256x1024xf32>
    %convert_element_type3A_136 = arith.truncf %add3A_135 : vector<256x1024xf32> to vector<256x1024xbf16>
    %convert_element_type3A_137 = arith.extf %convert_element_type3A_136 : vector<256x1024xbf16> to vector<256x1024xf32>
    %sub3A = arith.subf %add3A_135, %convert_element_type3A_137 : vector<256x1024xf32>
    %convert_element_type3A_138 = arith.truncf %sub3A : vector<256x1024xf32> to vector<256x1024xbf16>
    %convert_element_type3A_139 = arith.truncf %get3A_1 : vector<1024x256xf32> to vector<1024x256xbf16>
    %convert_element_type3A_140 = arith.extf %convert_element_type3A_139 : vector<1024x256xbf16> to vector<1024x256xf32>
    %sub3A_141 = arith.subf %get3A_1, %convert_element_type3A_140 : vector<1024x256xf32>
    %convert_element_type3A_142 = arith.truncf %sub3A_141 : vector<1024x256xf32> to vector<1024x256xbf16>
    %dot_general3A_143 = arith.constant dense<0.000000e+00> : vector<256x256xf32>
    %dot_general3A_144 = tpu.matmul %convert_element_type3A_136, %convert_element_type3A_139, %dot_general3A_143 {dimension_numbers = #tpu.dot_dimension_numbers<[1], [0], [0], [1], [0, 0, 1, 1], [], []>, transpose_lhs_hint = false} : vector<256x1024xbf16>, vector<1024x256xbf16>, vector<256x256xf32> -> vector<256x256xf32>
    %dot_general3A_145 = arith.constant dense<0.000000e+00> : vector<256x256xf32>
    %dot_general3A_146 = tpu.matmul %convert_element_type3A_136, %convert_element_type3A_142, %dot_general3A_145 {dimension_numbers = #tpu.dot_dimension_numbers<[1], [0], [0], [1], [0, 0, 1, 1], [], []>, transpose_lhs_hint = false} : vector<256x1024xbf16>, vector<1024x256xbf16>, vector<256x256xf32> -> vector<256x256xf32>
    %add3A_147 = arith.addf %dot_general3A_144, %dot_general3A_146 : vector<256x256xf32>
    %dot_general3A_148 = arith.constant dense<0.000000e+00> : vector<256x256xf32>
    %dot_general3A_149 = tpu.matmul %convert_element_type3A_138, %convert_element_type3A_139, %dot_general3A_148 {dimension_numbers = #tpu.dot_dimension_numbers<[1], [0], [0], [1], [0, 0, 1, 1], [], []>, transpose_lhs_hint = false} : vector<256x1024xbf16>, vector<1024x256xbf16>, vector<256x256xf32> -> vector<256x256xf32>
    %add3A_150 = arith.addf %add3A_147, %dot_general3A_149 : vector<256x256xf32>
    %reshape3A_151 = vector.shape_cast %add3A_150 : vector<256x256xf32> to vector<1x256x256xf32>
    %swap3A = arith.constant 0 : index
    %swap3A_152 = arith.constant 0 : index
    %swap3A_153 = arith.constant 0 : index
    %swap3A_154 = vector.load %arg6[%swap3A, %swap3A_152, %swap3A_153] : memref<1x256x256xf32, #tpu.memory_space<vmem>>, vector<1x256x256xf32>
    tpu.vector_store %arg6[%swap3A, %swap3A_152, %swap3A_153], %reshape3A_151 {strides = array<i32>} : memref<1x256x256xf32, #tpu.memory_space<vmem>>, vector<1x256x256xf32>,
    return
  }
  func.func @transform_0(%arg0: i32, %arg1: i32) -> (i32, i32, i32, i32) {
    %c0_i32 = arith.constant 0 : i32
    %c0_i32_0 = arith.constant 0 : i32
    %c0_i32_1 = arith.constant 0 : i32
    return %c0_i32, %arg0, %arg1, %c0_i32_0 : i32, i32, i32, i32
  }
  func.func @transform_1(%arg0: i32, %arg1: i32) -> (i32, i32, i32, i32) {
    %c0_i32 = arith.constant 0 : i32
    %c0_i32_0 = arith.constant 0 : i32
    %c0_i32_1 = arith.constant 0 : i32
    return %c0_i32, %arg0, %c0_i32_0, %arg1 : i32, i32, i32, i32
  }
  func.func @transform_2(%arg0: i32, %arg1: i32) -> (i32, i32, i32, i32) {
    %c0_i32 = arith.constant 0 : i32
    %c0_i32_0 = arith.constant 0 : i32
    %c0_i32_1 = arith.constant 0 : i32
    return %c0_i32, %arg0, %c0_i32_0, %arg1 : i32, i32, i32, i32
  }
  func.func @transform_3(%arg0: i32, %arg1: i32) -> (i32, i32) {
    %c0_i32 = arith.constant 0 : i32
    %c0_i32_0 = arith.constant 0 : i32
    %c0_i32_1 = arith.constant 0 : i32
    return %c0_i32, %c0_i32_0 : i32, i32
  }
  func.func @transform_4(%arg0: i32, %arg1: i32) -> (i32, i32, i32) {
    %c0_i32 = arith.constant 0 : i32
    %c0_i32_0 = arith.constant 0 : i32
    return %arg0, %arg1, %c0_i32 : i32, i32, i32
  }
}

module attributes {stable_mosaic.version = 14 : i64} {
  func.func @_idx_kernel(%arg0: memref<3x2x2048xf32, #tpu.memory_space<vmem>>, %arg1: memref<8x2x2048xi32, #tpu.memory_space<vmem>>, %arg2: memref<8x2x2048xf32, #tpu.memory_space<vmem>>, %arg3: memref<8x2x2048xf32, #tpu.memory_space<vmem>>) attributes {dimension_semantics = [], scalar_prefetch = 0 : i64, scratch_operands = 0 : i64, tpu.core_type = #tpu.core_type<tc>} {
    %get3A = arith.constant 0 : index
    %get3A_0 = arith.constant 0 : index
    %get3A_1 = arith.constant 0 : index
    %get3A_2 = vector.load %arg0[%get3A, %get3A_0, %get3A_1] : memref<3x2x2048xf32, #tpu.memory_space<vmem>>, vector<1x2x2048xf32>
    %get3A_3 = vector.shape_cast %get3A_2 : vector<1x2x2048xf32> to vector<2x2048xf32>
    %get3A_4 = arith.constant 1 : index
    %get3A_5 = arith.constant 0 : index
    %get3A_6 = arith.constant 0 : index
    %get3A_7 = vector.load %arg0[%get3A_4, %get3A_5, %get3A_6] : memref<3x2x2048xf32, #tpu.memory_space<vmem>>, vector<1x2x2048xf32>
    %get3A_8 = vector.shape_cast %get3A_7 : vector<1x2x2048xf32> to vector<2x2048xf32>
    %get3A_9 = arith.constant 2 : index
    %get3A_10 = arith.constant 0 : index
    %get3A_11 = arith.constant 0 : index
    %get3A_12 = vector.load %arg0[%get3A_9, %get3A_10, %get3A_11] : memref<3x2x2048xf32, #tpu.memory_space<vmem>>, vector<1x2x2048xf32>
    %get3A_13 = vector.shape_cast %get3A_12 : vector<1x2x2048xf32> to vector<2x2048xf32>
    %jit3A = arith.constant -1.000000e+00 : f32
    %jit3A_14 = arith.constant 1.000000e+00 : f32
    %max3A = vector.broadcast %jit3A : f32 to vector<2x2048xf32>
    %max3A_15 = arith.maximumf %max3A, %get3A_3 : vector<2x2048xf32>
    %min3A = vector.broadcast %jit3A_14 : f32 to vector<2x2048xf32>
    %min3A_16 = arith.minimumf %min3A, %max3A_15 : vector<2x2048xf32>
    %add3A = arith.constant 1.000000e+00 : f32
    %add3A_17 = vector.broadcast %add3A : f32 to vector<2x2048xf32>
    %add3A_18 = arith.addf %min3A_16, %add3A_17 : vector<2x2048xf32>
    %div3A = arith.constant 2.000000e+00 : f32
    %div3A_19 = vector.broadcast %div3A : f32 to vector<2x2048xf32>
    %div3A_20 = arith.divf %add3A_18, %div3A_19 : vector<2x2048xf32>
    %mul3A = arith.constant 3.100000e+01 : f32
    %mul3A_21 = vector.broadcast %mul3A : f32 to vector<2x2048xf32>
    %mul3A_22 = arith.mulf %div3A_20, %mul3A_21 : vector<2x2048xf32>
    %jit3A_23 = arith.constant -1.000000e+00 : f32
    %jit3A_24 = arith.constant 1.000000e+00 : f32
    %max3A_25 = vector.broadcast %jit3A_23 : f32 to vector<2x2048xf32>
    %max3A_26 = arith.maximumf %max3A_25, %get3A_8 : vector<2x2048xf32>
    %min3A_27 = vector.broadcast %jit3A_24 : f32 to vector<2x2048xf32>
    %min3A_28 = arith.minimumf %min3A_27, %max3A_26 : vector<2x2048xf32>
    %add3A_29 = arith.constant 1.000000e+00 : f32
    %add3A_30 = vector.broadcast %add3A_29 : f32 to vector<2x2048xf32>
    %add3A_31 = arith.addf %min3A_28, %add3A_30 : vector<2x2048xf32>
    %div3A_32 = arith.constant 2.000000e+00 : f32
    %div3A_33 = vector.broadcast %div3A_32 : f32 to vector<2x2048xf32>
    %div3A_34 = arith.divf %add3A_31, %div3A_33 : vector<2x2048xf32>
    %mul3A_35 = arith.constant 3.100000e+01 : f32
    %mul3A_36 = vector.broadcast %mul3A_35 : f32 to vector<2x2048xf32>
    %mul3A_37 = arith.mulf %div3A_34, %mul3A_36 : vector<2x2048xf32>
    %jit3A_38 = arith.constant -1.000000e+00 : f32
    %jit3A_39 = arith.constant 1.000000e+00 : f32
    %max3A_40 = vector.broadcast %jit3A_38 : f32 to vector<2x2048xf32>
    %max3A_41 = arith.maximumf %max3A_40, %get3A_13 : vector<2x2048xf32>
    %min3A_42 = vector.broadcast %jit3A_39 : f32 to vector<2x2048xf32>
    %min3A_43 = arith.minimumf %min3A_42, %max3A_41 : vector<2x2048xf32>
    %add3A_44 = arith.constant 1.000000e+00 : f32
    %add3A_45 = vector.broadcast %add3A_44 : f32 to vector<2x2048xf32>
    %add3A_46 = arith.addf %min3A_43, %add3A_45 : vector<2x2048xf32>
    %div3A_47 = arith.constant 2.000000e+00 : f32
    %div3A_48 = vector.broadcast %div3A_47 : f32 to vector<2x2048xf32>
    %div3A_49 = arith.divf %add3A_46, %div3A_48 : vector<2x2048xf32>
    %mul3A_50 = arith.constant 1.500000e+01 : f32
    %mul3A_51 = vector.broadcast %mul3A_50 : f32 to vector<2x2048xf32>
    %mul3A_52 = arith.mulf %div3A_49, %mul3A_51 : vector<2x2048xf32>
    %floor3A = math.floor %mul3A_22 : vector<2x2048xf32>
    %floor3A_53 = math.floor %mul3A_37 : vector<2x2048xf32>
    %floor3A_54 = math.floor %mul3A_52 : vector<2x2048xf32>
    %sub3A = arith.subf %mul3A_22, %floor3A : vector<2x2048xf32>
    %sub3A_55 = arith.subf %mul3A_37, %floor3A_53 : vector<2x2048xf32>
    %sub3A_56 = arith.subf %mul3A_52, %floor3A_54 : vector<2x2048xf32>
    %add3A_57 = arith.constant 1.000000e+00 : f32
    %add3A_58 = vector.broadcast %add3A_57 : f32 to vector<2x2048xf32>
    %add3A_59 = arith.addf %floor3A, %add3A_58 : vector<2x2048xf32>
    %add3A_60 = arith.constant 1.000000e+00 : f32
    %add3A_61 = vector.broadcast %add3A_60 : f32 to vector<2x2048xf32>
    %add3A_62 = arith.addf %floor3A_53, %add3A_61 : vector<2x2048xf32>
    %add3A_63 = arith.constant 1.000000e+00 : f32
    %add3A_64 = vector.broadcast %add3A_63 : f32 to vector<2x2048xf32>
    %add3A_65 = arith.addf %floor3A_54, %add3A_64 : vector<2x2048xf32>
    %iota3A = tpu.iota {dimensions = array<i32: 0>} : vector<2x2048xi32>
    %sub3A_66 = arith.constant 1.550000e+01 : f32
    %sub3A_67 = vector.broadcast %sub3A_66 : f32 to vector<2x2048xf32>
    %sub3A_68 = arith.subf %floor3A, %sub3A_67 : vector<2x2048xf32>
    %div3A_69 = arith.constant 1.550000e+01 : f32
    %div3A_70 = vector.broadcast %div3A_69 : f32 to vector<2x2048xf32>
    %div3A_71 = arith.divf %sub3A_68, %div3A_70 : vector<2x2048xf32>
    %jit3A_72 = arith.constant -1.000000e+00 : f32
    %jit3A_73 = arith.constant 1.000000e+00 : f32
    %max3A_74 = vector.broadcast %jit3A_72 : f32 to vector<2x2048xf32>
    %max3A_75 = arith.maximumf %max3A_74, %div3A_71 : vector<2x2048xf32>
    %min3A_76 = vector.broadcast %jit3A_73 : f32 to vector<2x2048xf32>
    %min3A_77 = arith.minimumf %min3A_76, %max3A_75 : vector<2x2048xf32>
    %add3A_78 = arith.constant 1.000000e+00 : f32
    %add3A_79 = vector.broadcast %add3A_78 : f32 to vector<2x2048xf32>
    %add3A_80 = arith.addf %min3A_77, %add3A_79 : vector<2x2048xf32>
    %mul3A_81 = arith.constant 3.200000e+01 : f32
    %mul3A_82 = vector.broadcast %mul3A_81 : f32 to vector<2x2048xf32>
    %mul3A_83 = arith.mulf %add3A_80, %mul3A_82 : vector<2x2048xf32>
    %sub3A_84 = arith.constant 1.000000e+00 : f32
    %sub3A_85 = vector.broadcast %sub3A_84 : f32 to vector<2x2048xf32>
    %sub3A_86 = arith.subf %mul3A_83, %sub3A_85 : vector<2x2048xf32>
    %div3A_87 = arith.constant 2.000000e+00 : f32
    %div3A_88 = vector.broadcast %div3A_87 : f32 to vector<2x2048xf32>
    %div3A_89 = arith.divf %sub3A_86, %div3A_88 : vector<2x2048xf32>
    %round3A = math.roundeven %div3A_89 : vector<2x2048xf32>
    %convert_element_type3A = arith.fptosi %round3A : vector<2x2048xf32> to vector<2x2048xi32>
    %ge3A = arith.constant 0 : i32
    %ge3A_90 = vector.broadcast %ge3A : i32 to vector<2x2048xi32>
    %ge3A_91 = arith.cmpi sge, %convert_element_type3A, %ge3A_90 : vector<2x2048xi32>
    %lt3A = arith.constant 32 : i32
    %lt3A_92 = vector.broadcast %lt3A : i32 to vector<2x2048xi32>
    %lt3A_93 = arith.cmpi slt, %convert_element_type3A, %lt3A_92 : vector<2x2048xi32>
    %and3A = arith.andi %ge3A_91, %lt3A_93 : vector<2x2048xi1>
    %jit3A_94 = arith.constant 0 : i32
    %jit3A_95 = arith.constant 31 : i32
    %max3A_96 = vector.broadcast %jit3A_94 : i32 to vector<2x2048xi32>
    %max3A_97 = arith.maxsi %max3A_96, %convert_element_type3A : vector<2x2048xi32>
    %min3A_98 = vector.broadcast %jit3A_95 : i32 to vector<2x2048xi32>
    %min3A_99 = arith.minsi %min3A_98, %max3A_97 : vector<2x2048xi32>
    %sub3A_100 = arith.constant 1.550000e+01 : f32
    %sub3A_101 = vector.broadcast %sub3A_100 : f32 to vector<2x2048xf32>
    %sub3A_102 = arith.subf %floor3A_53, %sub3A_101 : vector<2x2048xf32>
    %div3A_103 = arith.constant 1.550000e+01 : f32
    %div3A_104 = vector.broadcast %div3A_103 : f32 to vector<2x2048xf32>
    %div3A_105 = arith.divf %sub3A_102, %div3A_104 : vector<2x2048xf32>
    %jit3A_106 = arith.constant -1.000000e+00 : f32
    %jit3A_107 = arith.constant 1.000000e+00 : f32
    %max3A_108 = vector.broadcast %jit3A_106 : f32 to vector<2x2048xf32>
    %max3A_109 = arith.maximumf %max3A_108, %div3A_105 : vector<2x2048xf32>
    %min3A_110 = vector.broadcast %jit3A_107 : f32 to vector<2x2048xf32>
    %min3A_111 = arith.minimumf %min3A_110, %max3A_109 : vector<2x2048xf32>
    %add3A_112 = arith.constant 1.000000e+00 : f32
    %add3A_113 = vector.broadcast %add3A_112 : f32 to vector<2x2048xf32>
    %add3A_114 = arith.addf %min3A_111, %add3A_113 : vector<2x2048xf32>
    %mul3A_115 = arith.constant 3.200000e+01 : f32
    %mul3A_116 = vector.broadcast %mul3A_115 : f32 to vector<2x2048xf32>
    %mul3A_117 = arith.mulf %add3A_114, %mul3A_116 : vector<2x2048xf32>
    %sub3A_118 = arith.constant 1.000000e+00 : f32
    %sub3A_119 = vector.broadcast %sub3A_118 : f32 to vector<2x2048xf32>
    %sub3A_120 = arith.subf %mul3A_117, %sub3A_119 : vector<2x2048xf32>
    %div3A_121 = arith.constant 2.000000e+00 : f32
    %div3A_122 = vector.broadcast %div3A_121 : f32 to vector<2x2048xf32>
    %div3A_123 = arith.divf %sub3A_120, %div3A_122 : vector<2x2048xf32>
    %round3A_124 = math.roundeven %div3A_123 : vector<2x2048xf32>
    %convert_element_type3A_125 = arith.fptosi %round3A_124 : vector<2x2048xf32> to vector<2x2048xi32>
    %ge3A_126 = arith.constant 0 : i32
    %ge3A_127 = vector.broadcast %ge3A_126 : i32 to vector<2x2048xi32>
    %ge3A_128 = arith.cmpi sge, %convert_element_type3A_125, %ge3A_127 : vector<2x2048xi32>
    %lt3A_129 = arith.constant 32 : i32
    %lt3A_130 = vector.broadcast %lt3A_129 : i32 to vector<2x2048xi32>
    %lt3A_131 = arith.cmpi slt, %convert_element_type3A_125, %lt3A_130 : vector<2x2048xi32>
    %and3A_132 = arith.andi %ge3A_128, %lt3A_131 : vector<2x2048xi1>
    %jit3A_133 = arith.constant 0 : i32
    %jit3A_134 = arith.constant 31 : i32
    %max3A_135 = vector.broadcast %jit3A_133 : i32 to vector<2x2048xi32>
    %max3A_136 = arith.maxsi %max3A_135, %convert_element_type3A_125 : vector<2x2048xi32>
    %min3A_137 = vector.broadcast %jit3A_134 : i32 to vector<2x2048xi32>
    %min3A_138 = arith.minsi %min3A_137, %max3A_136 : vector<2x2048xi32>
    %convert_element_type3A_139 = arith.fptosi %floor3A_54 : vector<2x2048xf32> to vector<2x2048xi32>
    %jit3A_140 = arith.constant 0 : i32
    %jit3A_141 = arith.constant 15 : i32
    %max3A_142 = vector.broadcast %jit3A_140 : i32 to vector<2x2048xi32>
    %max3A_143 = arith.maxsi %max3A_142, %convert_element_type3A_139 : vector<2x2048xi32>
    %min3A_144 = vector.broadcast %jit3A_141 : i32 to vector<2x2048xi32>
    %min3A_145 = arith.minsi %min3A_144, %max3A_143 : vector<2x2048xi32>
    %mul3A_146 = arith.constant 16384 : i32
    %mul3A_147 = vector.broadcast %mul3A_146 : i32 to vector<2x2048xi32>
    %mul3A_148 = arith.muli %iota3A, %mul3A_147 : vector<2x2048xi32>
    %mul3A_149 = arith.constant 1024 : i32
    %mul3A_150 = vector.broadcast %mul3A_149 : i32 to vector<2x2048xi32>
    %mul3A_151 = arith.muli %min3A_145, %mul3A_150 : vector<2x2048xi32>
    %add3A_152 = arith.addi %mul3A_148, %mul3A_151 : vector<2x2048xi32>
    %mul3A_153 = arith.constant 32 : i32
    %mul3A_154 = vector.broadcast %mul3A_153 : i32 to vector<2x2048xi32>
    %mul3A_155 = arith.muli %min3A_138, %mul3A_154 : vector<2x2048xi32>
    %add3A_156 = arith.addi %add3A_152, %mul3A_155 : vector<2x2048xi32>
    %add3A_157 = arith.addi %add3A_156, %min3A_99 : vector<2x2048xi32>
    %swap3A = arith.constant 0 : index
    %swap3A_158 = arith.constant 0 : index
    %swap3A_159 = arith.constant 0 : index
    %swap3A_160 = vector.load %arg1[%swap3A, %swap3A_158, %swap3A_159] : memref<8x2x2048xi32, #tpu.memory_space<vmem>>, vector<1x2x2048xi32>
    %swap3A_161 = vector.shape_cast %swap3A_160 : vector<1x2x2048xi32> to vector<2x2048xi32>
    %swap3A_162 = vector.shape_cast %add3A_157 : vector<2x2048xi32> to vector<1x2x2048xi32>
    tpu.vector_store %arg1[%swap3A, %swap3A_158, %swap3A_159], %swap3A_162 {strides = array<i32>} : memref<8x2x2048xi32, #tpu.memory_space<vmem>>, vector<1x2x2048xi32>,
    %and3A_163 = arith.andi %and3A, %and3A_132 : vector<2x2048xi1>
    %convert_element_type3A_164 = arith.extui %and3A_163 : vector<2x2048xi1> to vector<2x2048xi32>
    %convert_element_type3A_165 = arith.sitofp %convert_element_type3A_164 : vector<2x2048xi32> to vector<2x2048xf32>
    %mul3A_166 = arith.constant -2.000000e+00 : f32
    %mul3A_167 = vector.broadcast %mul3A_166 : f32 to vector<2x2048xf32>
    %mul3A_168 = arith.mulf %convert_element_type3A_165, %mul3A_167 : vector<2x2048xf32>
    %swap3A_169 = arith.constant 0 : index
    %swap3A_170 = arith.constant 0 : index
    %swap3A_171 = arith.constant 0 : index
    %swap3A_172 = vector.load %arg3[%swap3A_169, %swap3A_170, %swap3A_171] : memref<8x2x2048xf32, #tpu.memory_space<vmem>>, vector<1x2x2048xf32>
    %swap3A_173 = vector.shape_cast %swap3A_172 : vector<1x2x2048xf32> to vector<2x2048xf32>
    %swap3A_174 = vector.shape_cast %mul3A_168 : vector<2x2048xf32> to vector<1x2x2048xf32>
    tpu.vector_store %arg3[%swap3A_169, %swap3A_170, %swap3A_171], %swap3A_174 {strides = array<i32>} : memref<8x2x2048xf32, #tpu.memory_space<vmem>>, vector<1x2x2048xf32>,
    %sub3A_175 = arith.constant 1.000000e+00 : f32
    %sub3A_176 = vector.broadcast %sub3A_175 : f32 to vector<2x2048xf32>
    %sub3A_177 = arith.subf %sub3A_176, %sub3A : vector<2x2048xf32>
    %sub3A_178 = arith.constant 1.000000e+00 : f32
    %sub3A_179 = vector.broadcast %sub3A_178 : f32 to vector<2x2048xf32>
    %sub3A_180 = arith.subf %sub3A_179, %sub3A_55 : vector<2x2048xf32>
    %sub3A_181 = arith.constant 1.000000e+00 : f32
    %sub3A_182 = vector.broadcast %sub3A_181 : f32 to vector<2x2048xf32>
    %sub3A_183 = arith.subf %sub3A_182, %sub3A_56 : vector<2x2048xf32>
    %mul3A_184 = arith.mulf %sub3A_177, %sub3A_180 : vector<2x2048xf32>
    %mul3A_185 = arith.mulf %mul3A_184, %sub3A_183 : vector<2x2048xf32>
    %swap3A_186 = arith.constant 0 : index
    %swap3A_187 = arith.constant 0 : index
    %swap3A_188 = arith.constant 0 : index
    %swap3A_189 = vector.load %arg2[%swap3A_186, %swap3A_187, %swap3A_188] : memref<8x2x2048xf32, #tpu.memory_space<vmem>>, vector<1x2x2048xf32>
    %swap3A_190 = vector.shape_cast %swap3A_189 : vector<1x2x2048xf32> to vector<2x2048xf32>
    %swap3A_191 = vector.shape_cast %mul3A_185 : vector<2x2048xf32> to vector<1x2x2048xf32>
    tpu.vector_store %arg2[%swap3A_186, %swap3A_187, %swap3A_188], %swap3A_191 {strides = array<i32>} : memref<8x2x2048xf32, #tpu.memory_space<vmem>>, vector<1x2x2048xf32>,
    %sub3A_192 = arith.constant 1.550000e+01 : f32
    %sub3A_193 = vector.broadcast %sub3A_192 : f32 to vector<2x2048xf32>
    %sub3A_194 = arith.subf %floor3A, %sub3A_193 : vector<2x2048xf32>
    %div3A_195 = arith.constant 1.550000e+01 : f32
    %div3A_196 = vector.broadcast %div3A_195 : f32 to vector<2x2048xf32>
    %div3A_197 = arith.divf %sub3A_194, %div3A_196 : vector<2x2048xf32>
    %jit3A_198 = arith.constant -1.000000e+00 : f32
    %jit3A_199 = arith.constant 1.000000e+00 : f32
    %max3A_200 = vector.broadcast %jit3A_198 : f32 to vector<2x2048xf32>
    %max3A_201 = arith.maximumf %max3A_200, %div3A_197 : vector<2x2048xf32>
    %min3A_202 = vector.broadcast %jit3A_199 : f32 to vector<2x2048xf32>
    %min3A_203 = arith.minimumf %min3A_202, %max3A_201 : vector<2x2048xf32>
    %add3A_204 = arith.constant 1.000000e+00 : f32
    %add3A_205 = vector.broadcast %add3A_204 : f32 to vector<2x2048xf32>
    %add3A_206 = arith.addf %min3A_203, %add3A_205 : vector<2x2048xf32>
    %mul3A_207 = arith.constant 3.200000e+01 : f32
    %mul3A_208 = vector.broadcast %mul3A_207 : f32 to vector<2x2048xf32>
    %mul3A_209 = arith.mulf %add3A_206, %mul3A_208 : vector<2x2048xf32>
    %sub3A_210 = arith.constant 1.000000e+00 : f32
    %sub3A_211 = vector.broadcast %sub3A_210 : f32 to vector<2x2048xf32>
    %sub3A_212 = arith.subf %mul3A_209, %sub3A_211 : vector<2x2048xf32>
    %div3A_213 = arith.constant 2.000000e+00 : f32
    %div3A_214 = vector.broadcast %div3A_213 : f32 to vector<2x2048xf32>
    %div3A_215 = arith.divf %sub3A_212, %div3A_214 : vector<2x2048xf32>
    %round3A_216 = math.roundeven %div3A_215 : vector<2x2048xf32>
    %convert_element_type3A_217 = arith.fptosi %round3A_216 : vector<2x2048xf32> to vector<2x2048xi32>
    %ge3A_218 = arith.constant 0 : i32
    %ge3A_219 = vector.broadcast %ge3A_218 : i32 to vector<2x2048xi32>
    %ge3A_220 = arith.cmpi sge, %convert_element_type3A_217, %ge3A_219 : vector<2x2048xi32>
    %lt3A_221 = arith.constant 32 : i32
    %lt3A_222 = vector.broadcast %lt3A_221 : i32 to vector<2x2048xi32>
    %lt3A_223 = arith.cmpi slt, %convert_element_type3A_217, %lt3A_222 : vector<2x2048xi32>
    %and3A_224 = arith.andi %ge3A_220, %lt3A_223 : vector<2x2048xi1>
    %jit3A_225 = arith.constant 0 : i32
    %jit3A_226 = arith.constant 31 : i32
    %max3A_227 = vector.broadcast %jit3A_225 : i32 to vector<2x2048xi32>
    %max3A_228 = arith.maxsi %max3A_227, %convert_element_type3A_217 : vector<2x2048xi32>
    %min3A_229 = vector.broadcast %jit3A_226 : i32 to vector<2x2048xi32>
    %min3A_230 = arith.minsi %min3A_229, %max3A_228 : vector<2x2048xi32>
    %sub3A_231 = arith.constant 1.550000e+01 : f32
    %sub3A_232 = vector.broadcast %sub3A_231 : f32 to vector<2x2048xf32>
    %sub3A_233 = arith.subf %floor3A_53, %sub3A_232 : vector<2x2048xf32>
    %div3A_234 = arith.constant 1.550000e+01 : f32
    %div3A_235 = vector.broadcast %div3A_234 : f32 to vector<2x2048xf32>
    %div3A_236 = arith.divf %sub3A_233, %div3A_235 : vector<2x2048xf32>
    %jit3A_237 = arith.constant -1.000000e+00 : f32
    %jit3A_238 = arith.constant 1.000000e+00 : f32
    %max3A_239 = vector.broadcast %jit3A_237 : f32 to vector<2x2048xf32>
    %max3A_240 = arith.maximumf %max3A_239, %div3A_236 : vector<2x2048xf32>
    %min3A_241 = vector.broadcast %jit3A_238 : f32 to vector<2x2048xf32>
    %min3A_242 = arith.minimumf %min3A_241, %max3A_240 : vector<2x2048xf32>
    %add3A_243 = arith.constant 1.000000e+00 : f32
    %add3A_244 = vector.broadcast %add3A_243 : f32 to vector<2x2048xf32>
    %add3A_245 = arith.addf %min3A_242, %add3A_244 : vector<2x2048xf32>
    %mul3A_246 = arith.constant 3.200000e+01 : f32
    %mul3A_247 = vector.broadcast %mul3A_246 : f32 to vector<2x2048xf32>
    %mul3A_248 = arith.mulf %add3A_245, %mul3A_247 : vector<2x2048xf32>
    %sub3A_249 = arith.constant 1.000000e+00 : f32
    %sub3A_250 = vector.broadcast %sub3A_249 : f32 to vector<2x2048xf32>
    %sub3A_251 = arith.subf %mul3A_248, %sub3A_250 : vector<2x2048xf32>
    %div3A_252 = arith.constant 2.000000e+00 : f32
    %div3A_253 = vector.broadcast %div3A_252 : f32 to vector<2x2048xf32>
    %div3A_254 = arith.divf %sub3A_251, %div3A_253 : vector<2x2048xf32>
    %round3A_255 = math.roundeven %div3A_254 : vector<2x2048xf32>
    %convert_element_type3A_256 = arith.fptosi %round3A_255 : vector<2x2048xf32> to vector<2x2048xi32>
    %ge3A_257 = arith.constant 0 : i32
    %ge3A_258 = vector.broadcast %ge3A_257 : i32 to vector<2x2048xi32>
    %ge3A_259 = arith.cmpi sge, %convert_element_type3A_256, %ge3A_258 : vector<2x2048xi32>
    %lt3A_260 = arith.constant 32 : i32
    %lt3A_261 = vector.broadcast %lt3A_260 : i32 to vector<2x2048xi32>
    %lt3A_262 = arith.cmpi slt, %convert_element_type3A_256, %lt3A_261 : vector<2x2048xi32>
    %and3A_263 = arith.andi %ge3A_259, %lt3A_262 : vector<2x2048xi1>
    %jit3A_264 = arith.constant 0 : i32
    %jit3A_265 = arith.constant 31 : i32
    %max3A_266 = vector.broadcast %jit3A_264 : i32 to vector<2x2048xi32>
    %max3A_267 = arith.maxsi %max3A_266, %convert_element_type3A_256 : vector<2x2048xi32>
    %min3A_268 = vector.broadcast %jit3A_265 : i32 to vector<2x2048xi32>
    %min3A_269 = arith.minsi %min3A_268, %max3A_267 : vector<2x2048xi32>
    %convert_element_type3A_270 = arith.fptosi %add3A_65 : vector<2x2048xf32> to vector<2x2048xi32>
    %jit3A_271 = arith.constant 0 : i32
    %jit3A_272 = arith.constant 15 : i32
    %max3A_273 = vector.broadcast %jit3A_271 : i32 to vector<2x2048xi32>
    %max3A_274 = arith.maxsi %max3A_273, %convert_element_type3A_270 : vector<2x2048xi32>
    %min3A_275 = vector.broadcast %jit3A_272 : i32 to vector<2x2048xi32>
    %min3A_276 = arith.minsi %min3A_275, %max3A_274 : vector<2x2048xi32>
    %mul3A_277 = arith.constant 16384 : i32
    %mul3A_278 = vector.broadcast %mul3A_277 : i32 to vector<2x2048xi32>
    %mul3A_279 = arith.muli %iota3A, %mul3A_278 : vector<2x2048xi32>
    %mul3A_280 = arith.constant 1024 : i32
    %mul3A_281 = vector.broadcast %mul3A_280 : i32 to vector<2x2048xi32>
    %mul3A_282 = arith.muli %min3A_276, %mul3A_281 : vector<2x2048xi32>
    %add3A_283 = arith.addi %mul3A_279, %mul3A_282 : vector<2x2048xi32>
    %mul3A_284 = arith.constant 32 : i32
    %mul3A_285 = vector.broadcast %mul3A_284 : i32 to vector<2x2048xi32>
    %mul3A_286 = arith.muli %min3A_269, %mul3A_285 : vector<2x2048xi32>
    %add3A_287 = arith.addi %add3A_283, %mul3A_286 : vector<2x2048xi32>
    %add3A_288 = arith.addi %add3A_287, %min3A_230 : vector<2x2048xi32>
    %swap3A_289 = arith.constant 1 : index
    %swap3A_290 = arith.constant 0 : index
    %swap3A_291 = arith.constant 0 : index
    %swap3A_292 = vector.load %arg1[%swap3A_289, %swap3A_290, %swap3A_291] : memref<8x2x2048xi32, #tpu.memory_space<vmem>>, vector<1x2x2048xi32>
    %swap3A_293 = vector.shape_cast %swap3A_292 : vector<1x2x2048xi32> to vector<2x2048xi32>
    %swap3A_294 = vector.shape_cast %add3A_288 : vector<2x2048xi32> to vector<1x2x2048xi32>
    tpu.vector_store %arg1[%swap3A_289, %swap3A_290, %swap3A_291], %swap3A_294 {strides = array<i32>} : memref<8x2x2048xi32, #tpu.memory_space<vmem>>, vector<1x2x2048xi32>,
    %and3A_295 = arith.andi %and3A_224, %and3A_263 : vector<2x2048xi1>
    %convert_element_type3A_296 = arith.extui %and3A_295 : vector<2x2048xi1> to vector<2x2048xi32>
    %convert_element_type3A_297 = arith.sitofp %convert_element_type3A_296 : vector<2x2048xi32> to vector<2x2048xf32>
    %mul3A_298 = arith.constant -2.000000e+00 : f32
    %mul3A_299 = vector.broadcast %mul3A_298 : f32 to vector<2x2048xf32>
    %mul3A_300 = arith.mulf %convert_element_type3A_297, %mul3A_299 : vector<2x2048xf32>
    %swap3A_301 = arith.constant 1 : index
    %swap3A_302 = arith.constant 0 : index
    %swap3A_303 = arith.constant 0 : index
    %swap3A_304 = vector.load %arg3[%swap3A_301, %swap3A_302, %swap3A_303] : memref<8x2x2048xf32, #tpu.memory_space<vmem>>, vector<1x2x2048xf32>
    %swap3A_305 = vector.shape_cast %swap3A_304 : vector<1x2x2048xf32> to vector<2x2048xf32>
    %swap3A_306 = vector.shape_cast %mul3A_300 : vector<2x2048xf32> to vector<1x2x2048xf32>
    tpu.vector_store %arg3[%swap3A_301, %swap3A_302, %swap3A_303], %swap3A_306 {strides = array<i32>} : memref<8x2x2048xf32, #tpu.memory_space<vmem>>, vector<1x2x2048xf32>,
    %sub3A_307 = arith.constant 1.000000e+00 : f32
    %sub3A_308 = vector.broadcast %sub3A_307 : f32 to vector<2x2048xf32>
    %sub3A_309 = arith.subf %sub3A_308, %sub3A : vector<2x2048xf32>
    %sub3A_310 = arith.constant 1.000000e+00 : f32
    %sub3A_311 = vector.broadcast %sub3A_310 : f32 to vector<2x2048xf32>
    %sub3A_312 = arith.subf %sub3A_311, %sub3A_55 : vector<2x2048xf32>
    %mul3A_313 = arith.mulf %sub3A_309, %sub3A_312 : vector<2x2048xf32>
    %mul3A_314 = arith.mulf %mul3A_313, %sub3A_56 : vector<2x2048xf32>
    %swap3A_315 = arith.constant 1 : index
    %swap3A_316 = arith.constant 0 : index
    %swap3A_317 = arith.constant 0 : index
    %swap3A_318 = vector.load %arg2[%swap3A_315, %swap3A_316, %swap3A_317] : memref<8x2x2048xf32, #tpu.memory_space<vmem>>, vector<1x2x2048xf32>
    %swap3A_319 = vector.shape_cast %swap3A_318 : vector<1x2x2048xf32> to vector<2x2048xf32>
    %swap3A_320 = vector.shape_cast %mul3A_314 : vector<2x2048xf32> to vector<1x2x2048xf32>
    tpu.vector_store %arg2[%swap3A_315, %swap3A_316, %swap3A_317], %swap3A_320 {strides = array<i32>} : memref<8x2x2048xf32, #tpu.memory_space<vmem>>, vector<1x2x2048xf32>,
    %sub3A_321 = arith.constant 1.550000e+01 : f32
    %sub3A_322 = vector.broadcast %sub3A_321 : f32 to vector<2x2048xf32>
    %sub3A_323 = arith.subf %floor3A, %sub3A_322 : vector<2x2048xf32>
    %div3A_324 = arith.constant 1.550000e+01 : f32
    %div3A_325 = vector.broadcast %div3A_324 : f32 to vector<2x2048xf32>
    %div3A_326 = arith.divf %sub3A_323, %div3A_325 : vector<2x2048xf32>
    %jit3A_327 = arith.constant -1.000000e+00 : f32
    %jit3A_328 = arith.constant 1.000000e+00 : f32
    %max3A_329 = vector.broadcast %jit3A_327 : f32 to vector<2x2048xf32>
    %max3A_330 = arith.maximumf %max3A_329, %div3A_326 : vector<2x2048xf32>
    %min3A_331 = vector.broadcast %jit3A_328 : f32 to vector<2x2048xf32>
    %min3A_332 = arith.minimumf %min3A_331, %max3A_330 : vector<2x2048xf32>
    %add3A_333 = arith.constant 1.000000e+00 : f32
    %add3A_334 = vector.broadcast %add3A_333 : f32 to vector<2x2048xf32>
    %add3A_335 = arith.addf %min3A_332, %add3A_334 : vector<2x2048xf32>
    %mul3A_336 = arith.constant 3.200000e+01 : f32
    %mul3A_337 = vector.broadcast %mul3A_336 : f32 to vector<2x2048xf32>
    %mul3A_338 = arith.mulf %add3A_335, %mul3A_337 : vector<2x2048xf32>
    %sub3A_339 = arith.constant 1.000000e+00 : f32
    %sub3A_340 = vector.broadcast %sub3A_339 : f32 to vector<2x2048xf32>
    %sub3A_341 = arith.subf %mul3A_338, %sub3A_340 : vector<2x2048xf32>
    %div3A_342 = arith.constant 2.000000e+00 : f32
    %div3A_343 = vector.broadcast %div3A_342 : f32 to vector<2x2048xf32>
    %div3A_344 = arith.divf %sub3A_341, %div3A_343 : vector<2x2048xf32>
    %round3A_345 = math.roundeven %div3A_344 : vector<2x2048xf32>
    %convert_element_type3A_346 = arith.fptosi %round3A_345 : vector<2x2048xf32> to vector<2x2048xi32>
    %ge3A_347 = arith.constant 0 : i32
    %ge3A_348 = vector.broadcast %ge3A_347 : i32 to vector<2x2048xi32>
    %ge3A_349 = arith.cmpi sge, %convert_element_type3A_346, %ge3A_348 : vector<2x2048xi32>
    %lt3A_350 = arith.constant 32 : i32
    %lt3A_351 = vector.broadcast %lt3A_350 : i32 to vector<2x2048xi32>
    %lt3A_352 = arith.cmpi slt, %convert_element_type3A_346, %lt3A_351 : vector<2x2048xi32>
    %and3A_353 = arith.andi %ge3A_349, %lt3A_352 : vector<2x2048xi1>
    %jit3A_354 = arith.constant 0 : i32
    %jit3A_355 = arith.constant 31 : i32
    %max3A_356 = vector.broadcast %jit3A_354 : i32 to vector<2x2048xi32>
    %max3A_357 = arith.maxsi %max3A_356, %convert_element_type3A_346 : vector<2x2048xi32>
    %min3A_358 = vector.broadcast %jit3A_355 : i32 to vector<2x2048xi32>
    %min3A_359 = arith.minsi %min3A_358, %max3A_357 : vector<2x2048xi32>
    %sub3A_360 = arith.constant 1.550000e+01 : f32
    %sub3A_361 = vector.broadcast %sub3A_360 : f32 to vector<2x2048xf32>
    %sub3A_362 = arith.subf %add3A_62, %sub3A_361 : vector<2x2048xf32>
    %div3A_363 = arith.constant 1.550000e+01 : f32
    %div3A_364 = vector.broadcast %div3A_363 : f32 to vector<2x2048xf32>
    %div3A_365 = arith.divf %sub3A_362, %div3A_364 : vector<2x2048xf32>
    %jit3A_366 = arith.constant -1.000000e+00 : f32
    %jit3A_367 = arith.constant 1.000000e+00 : f32
    %max3A_368 = vector.broadcast %jit3A_366 : f32 to vector<2x2048xf32>
    %max3A_369 = arith.maximumf %max3A_368, %div3A_365 : vector<2x2048xf32>
    %min3A_370 = vector.broadcast %jit3A_367 : f32 to vector<2x2048xf32>
    %min3A_371 = arith.minimumf %min3A_370, %max3A_369 : vector<2x2048xf32>
    %add3A_372 = arith.constant 1.000000e+00 : f32
    %add3A_373 = vector.broadcast %add3A_372 : f32 to vector<2x2048xf32>
    %add3A_374 = arith.addf %min3A_371, %add3A_373 : vector<2x2048xf32>
    %mul3A_375 = arith.constant 3.200000e+01 : f32
    %mul3A_376 = vector.broadcast %mul3A_375 : f32 to vector<2x2048xf32>
    %mul3A_377 = arith.mulf %add3A_374, %mul3A_376 : vector<2x2048xf32>
    %sub3A_378 = arith.constant 1.000000e+00 : f32
    %sub3A_379 = vector.broadcast %sub3A_378 : f32 to vector<2x2048xf32>
    %sub3A_380 = arith.subf %mul3A_377, %sub3A_379 : vector<2x2048xf32>
    %div3A_381 = arith.constant 2.000000e+00 : f32
    %div3A_382 = vector.broadcast %div3A_381 : f32 to vector<2x2048xf32>
    %div3A_383 = arith.divf %sub3A_380, %div3A_382 : vector<2x2048xf32>
    %round3A_384 = math.roundeven %div3A_383 : vector<2x2048xf32>
    %convert_element_type3A_385 = arith.fptosi %round3A_384 : vector<2x2048xf32> to vector<2x2048xi32>
    %ge3A_386 = arith.constant 0 : i32
    %ge3A_387 = vector.broadcast %ge3A_386 : i32 to vector<2x2048xi32>
    %ge3A_388 = arith.cmpi sge, %convert_element_type3A_385, %ge3A_387 : vector<2x2048xi32>
    %lt3A_389 = arith.constant 32 : i32
    %lt3A_390 = vector.broadcast %lt3A_389 : i32 to vector<2x2048xi32>
    %lt3A_391 = arith.cmpi slt, %convert_element_type3A_385, %lt3A_390 : vector<2x2048xi32>
    %and3A_392 = arith.andi %ge3A_388, %lt3A_391 : vector<2x2048xi1>
    %jit3A_393 = arith.constant 0 : i32
    %jit3A_394 = arith.constant 31 : i32
    %max3A_395 = vector.broadcast %jit3A_393 : i32 to vector<2x2048xi32>
    %max3A_396 = arith.maxsi %max3A_395, %convert_element_type3A_385 : vector<2x2048xi32>
    %min3A_397 = vector.broadcast %jit3A_394 : i32 to vector<2x2048xi32>
    %min3A_398 = arith.minsi %min3A_397, %max3A_396 : vector<2x2048xi32>
    %convert_element_type3A_399 = arith.fptosi %floor3A_54 : vector<2x2048xf32> to vector<2x2048xi32>
    %jit3A_400 = arith.constant 0 : i32
    %jit3A_401 = arith.constant 15 : i32
    %max3A_402 = vector.broadcast %jit3A_400 : i32 to vector<2x2048xi32>
    %max3A_403 = arith.maxsi %max3A_402, %convert_element_type3A_399 : vector<2x2048xi32>
    %min3A_404 = vector.broadcast %jit3A_401 : i32 to vector<2x2048xi32>
    %min3A_405 = arith.minsi %min3A_404, %max3A_403 : vector<2x2048xi32>
    %mul3A_406 = arith.constant 16384 : i32
    %mul3A_407 = vector.broadcast %mul3A_406 : i32 to vector<2x2048xi32>
    %mul3A_408 = arith.muli %iota3A, %mul3A_407 : vector<2x2048xi32>
    %mul3A_409 = arith.constant 1024 : i32
    %mul3A_410 = vector.broadcast %mul3A_409 : i32 to vector<2x2048xi32>
    %mul3A_411 = arith.muli %min3A_405, %mul3A_410 : vector<2x2048xi32>
    %add3A_412 = arith.addi %mul3A_408, %mul3A_411 : vector<2x2048xi32>
    %mul3A_413 = arith.constant 32 : i32
    %mul3A_414 = vector.broadcast %mul3A_413 : i32 to vector<2x2048xi32>
    %mul3A_415 = arith.muli %min3A_398, %mul3A_414 : vector<2x2048xi32>
    %add3A_416 = arith.addi %add3A_412, %mul3A_415 : vector<2x2048xi32>
    %add3A_417 = arith.addi %add3A_416, %min3A_359 : vector<2x2048xi32>
    %swap3A_418 = arith.constant 2 : index
    %swap3A_419 = arith.constant 0 : index
    %swap3A_420 = arith.constant 0 : index
    %swap3A_421 = vector.load %arg1[%swap3A_418, %swap3A_419, %swap3A_420] : memref<8x2x2048xi32, #tpu.memory_space<vmem>>, vector<1x2x2048xi32>
    %swap3A_422 = vector.shape_cast %swap3A_421 : vector<1x2x2048xi32> to vector<2x2048xi32>
    %swap3A_423 = vector.shape_cast %add3A_417 : vector<2x2048xi32> to vector<1x2x2048xi32>
    tpu.vector_store %arg1[%swap3A_418, %swap3A_419, %swap3A_420], %swap3A_423 {strides = array<i32>} : memref<8x2x2048xi32, #tpu.memory_space<vmem>>, vector<1x2x2048xi32>,
    %and3A_424 = arith.andi %and3A_353, %and3A_392 : vector<2x2048xi1>
    %convert_element_type3A_425 = arith.extui %and3A_424 : vector<2x2048xi1> to vector<2x2048xi32>
    %convert_element_type3A_426 = arith.sitofp %convert_element_type3A_425 : vector<2x2048xi32> to vector<2x2048xf32>
    %mul3A_427 = arith.constant -2.000000e+00 : f32
    %mul3A_428 = vector.broadcast %mul3A_427 : f32 to vector<2x2048xf32>
    %mul3A_429 = arith.mulf %convert_element_type3A_426, %mul3A_428 : vector<2x2048xf32>
    %swap3A_430 = arith.constant 2 : index
    %swap3A_431 = arith.constant 0 : index
    %swap3A_432 = arith.constant 0 : index
    %swap3A_433 = vector.load %arg3[%swap3A_430, %swap3A_431, %swap3A_432] : memref<8x2x2048xf32, #tpu.memory_space<vmem>>, vector<1x2x2048xf32>
    %swap3A_434 = vector.shape_cast %swap3A_433 : vector<1x2x2048xf32> to vector<2x2048xf32>
    %swap3A_435 = vector.shape_cast %mul3A_429 : vector<2x2048xf32> to vector<1x2x2048xf32>
    tpu.vector_store %arg3[%swap3A_430, %swap3A_431, %swap3A_432], %swap3A_435 {strides = array<i32>} : memref<8x2x2048xf32, #tpu.memory_space<vmem>>, vector<1x2x2048xf32>,
    %sub3A_436 = arith.constant 1.000000e+00 : f32
    %sub3A_437 = vector.broadcast %sub3A_436 : f32 to vector<2x2048xf32>
    %sub3A_438 = arith.subf %sub3A_437, %sub3A : vector<2x2048xf32>
    %sub3A_439 = arith.constant 1.000000e+00 : f32
    %sub3A_440 = vector.broadcast %sub3A_439 : f32 to vector<2x2048xf32>
    %sub3A_441 = arith.subf %sub3A_440, %sub3A_56 : vector<2x2048xf32>
    %mul3A_442 = arith.mulf %sub3A_438, %sub3A_55 : vector<2x2048xf32>
    %mul3A_443 = arith.mulf %mul3A_442, %sub3A_441 : vector<2x2048xf32>
    %swap3A_444 = arith.constant 2 : index
    %swap3A_445 = arith.constant 0 : index
    %swap3A_446 = arith.constant 0 : index
    %swap3A_447 = vector.load %arg2[%swap3A_444, %swap3A_445, %swap3A_446] : memref<8x2x2048xf32, #tpu.memory_space<vmem>>, vector<1x2x2048xf32>
    %swap3A_448 = vector.shape_cast %swap3A_447 : vector<1x2x2048xf32> to vector<2x2048xf32>
    %swap3A_449 = vector.shape_cast %mul3A_443 : vector<2x2048xf32> to vector<1x2x2048xf32>
    tpu.vector_store %arg2[%swap3A_444, %swap3A_445, %swap3A_446], %swap3A_449 {strides = array<i32>} : memref<8x2x2048xf32, #tpu.memory_space<vmem>>, vector<1x2x2048xf32>,
    %sub3A_450 = arith.constant 1.550000e+01 : f32
    %sub3A_451 = vector.broadcast %sub3A_450 : f32 to vector<2x2048xf32>
    %sub3A_452 = arith.subf %floor3A, %sub3A_451 : vector<2x2048xf32>
    %div3A_453 = arith.constant 1.550000e+01 : f32
    %div3A_454 = vector.broadcast %div3A_453 : f32 to vector<2x2048xf32>
    %div3A_455 = arith.divf %sub3A_452, %div3A_454 : vector<2x2048xf32>
    %jit3A_456 = arith.constant -1.000000e+00 : f32
    %jit3A_457 = arith.constant 1.000000e+00 : f32
    %max3A_458 = vector.broadcast %jit3A_456 : f32 to vector<2x2048xf32>
    %max3A_459 = arith.maximumf %max3A_458, %div3A_455 : vector<2x2048xf32>
    %min3A_460 = vector.broadcast %jit3A_457 : f32 to vector<2x2048xf32>
    %min3A_461 = arith.minimumf %min3A_460, %max3A_459 : vector<2x2048xf32>
    %add3A_462 = arith.constant 1.000000e+00 : f32
    %add3A_463 = vector.broadcast %add3A_462 : f32 to vector<2x2048xf32>
    %add3A_464 = arith.addf %min3A_461, %add3A_463 : vector<2x2048xf32>
    %mul3A_465 = arith.constant 3.200000e+01 : f32
    %mul3A_466 = vector.broadcast %mul3A_465 : f32 to vector<2x2048xf32>
    %mul3A_467 = arith.mulf %add3A_464, %mul3A_466 : vector<2x2048xf32>
    %sub3A_468 = arith.constant 1.000000e+00 : f32
    %sub3A_469 = vector.broadcast %sub3A_468 : f32 to vector<2x2048xf32>
    %sub3A_470 = arith.subf %mul3A_467, %sub3A_469 : vector<2x2048xf32>
    %div3A_471 = arith.constant 2.000000e+00 : f32
    %div3A_472 = vector.broadcast %div3A_471 : f32 to vector<2x2048xf32>
    %div3A_473 = arith.divf %sub3A_470, %div3A_472 : vector<2x2048xf32>
    %round3A_474 = math.roundeven %div3A_473 : vector<2x2048xf32>
    %convert_element_type3A_475 = arith.fptosi %round3A_474 : vector<2x2048xf32> to vector<2x2048xi32>
    %ge3A_476 = arith.constant 0 : i32
    %ge3A_477 = vector.broadcast %ge3A_476 : i32 to vector<2x2048xi32>
    %ge3A_478 = arith.cmpi sge, %convert_element_type3A_475, %ge3A_477 : vector<2x2048xi32>
    %lt3A_479 = arith.constant 32 : i32
    %lt3A_480 = vector.broadcast %lt3A_479 : i32 to vector<2x2048xi32>
    %lt3A_481 = arith.cmpi slt, %convert_element_type3A_475, %lt3A_480 : vector<2x2048xi32>
    %and3A_482 = arith.andi %ge3A_478, %lt3A_481 : vector<2x2048xi1>
    %jit3A_483 = arith.constant 0 : i32
    %jit3A_484 = arith.constant 31 : i32
    %max3A_485 = vector.broadcast %jit3A_483 : i32 to vector<2x2048xi32>
    %max3A_486 = arith.maxsi %max3A_485, %convert_element_type3A_475 : vector<2x2048xi32>
    %min3A_487 = vector.broadcast %jit3A_484 : i32 to vector<2x2048xi32>
    %min3A_488 = arith.minsi %min3A_487, %max3A_486 : vector<2x2048xi32>
    %sub3A_489 = arith.constant 1.550000e+01 : f32
    %sub3A_490 = vector.broadcast %sub3A_489 : f32 to vector<2x2048xf32>
    %sub3A_491 = arith.subf %add3A_62, %sub3A_490 : vector<2x2048xf32>
    %div3A_492 = arith.constant 1.550000e+01 : f32
    %div3A_493 = vector.broadcast %div3A_492 : f32 to vector<2x2048xf32>
    %div3A_494 = arith.divf %sub3A_491, %div3A_493 : vector<2x2048xf32>
    %jit3A_495 = arith.constant -1.000000e+00 : f32
    %jit3A_496 = arith.constant 1.000000e+00 : f32
    %max3A_497 = vector.broadcast %jit3A_495 : f32 to vector<2x2048xf32>
    %max3A_498 = arith.maximumf %max3A_497, %div3A_494 : vector<2x2048xf32>
    %min3A_499 = vector.broadcast %jit3A_496 : f32 to vector<2x2048xf32>
    %min3A_500 = arith.minimumf %min3A_499, %max3A_498 : vector<2x2048xf32>
    %add3A_501 = arith.constant 1.000000e+00 : f32
    %add3A_502 = vector.broadcast %add3A_501 : f32 to vector<2x2048xf32>
    %add3A_503 = arith.addf %min3A_500, %add3A_502 : vector<2x2048xf32>
    %mul3A_504 = arith.constant 3.200000e+01 : f32
    %mul3A_505 = vector.broadcast %mul3A_504 : f32 to vector<2x2048xf32>
    %mul3A_506 = arith.mulf %add3A_503, %mul3A_505 : vector<2x2048xf32>
    %sub3A_507 = arith.constant 1.000000e+00 : f32
    %sub3A_508 = vector.broadcast %sub3A_507 : f32 to vector<2x2048xf32>
    %sub3A_509 = arith.subf %mul3A_506, %sub3A_508 : vector<2x2048xf32>
    %div3A_510 = arith.constant 2.000000e+00 : f32
    %div3A_511 = vector.broadcast %div3A_510 : f32 to vector<2x2048xf32>
    %div3A_512 = arith.divf %sub3A_509, %div3A_511 : vector<2x2048xf32>
    %round3A_513 = math.roundeven %div3A_512 : vector<2x2048xf32>
    %convert_element_type3A_514 = arith.fptosi %round3A_513 : vector<2x2048xf32> to vector<2x2048xi32>
    %ge3A_515 = arith.constant 0 : i32
    %ge3A_516 = vector.broadcast %ge3A_515 : i32 to vector<2x2048xi32>
    %ge3A_517 = arith.cmpi sge, %convert_element_type3A_514, %ge3A_516 : vector<2x2048xi32>
    %lt3A_518 = arith.constant 32 : i32
    %lt3A_519 = vector.broadcast %lt3A_518 : i32 to vector<2x2048xi32>
    %lt3A_520 = arith.cmpi slt, %convert_element_type3A_514, %lt3A_519 : vector<2x2048xi32>
    %and3A_521 = arith.andi %ge3A_517, %lt3A_520 : vector<2x2048xi1>
    %jit3A_522 = arith.constant 0 : i32
    %jit3A_523 = arith.constant 31 : i32
    %max3A_524 = vector.broadcast %jit3A_522 : i32 to vector<2x2048xi32>
    %max3A_525 = arith.maxsi %max3A_524, %convert_element_type3A_514 : vector<2x2048xi32>
    %min3A_526 = vector.broadcast %jit3A_523 : i32 to vector<2x2048xi32>
    %min3A_527 = arith.minsi %min3A_526, %max3A_525 : vector<2x2048xi32>
    %convert_element_type3A_528 = arith.fptosi %add3A_65 : vector<2x2048xf32> to vector<2x2048xi32>
    %jit3A_529 = arith.constant 0 : i32
    %jit3A_530 = arith.constant 15 : i32
    %max3A_531 = vector.broadcast %jit3A_529 : i32 to vector<2x2048xi32>
    %max3A_532 = arith.maxsi %max3A_531, %convert_element_type3A_528 : vector<2x2048xi32>
    %min3A_533 = vector.broadcast %jit3A_530 : i32 to vector<2x2048xi32>
    %min3A_534 = arith.minsi %min3A_533, %max3A_532 : vector<2x2048xi32>
    %mul3A_535 = arith.constant 16384 : i32
    %mul3A_536 = vector.broadcast %mul3A_535 : i32 to vector<2x2048xi32>
    %mul3A_537 = arith.muli %iota3A, %mul3A_536 : vector<2x2048xi32>
    %mul3A_538 = arith.constant 1024 : i32
    %mul3A_539 = vector.broadcast %mul3A_538 : i32 to vector<2x2048xi32>
    %mul3A_540 = arith.muli %min3A_534, %mul3A_539 : vector<2x2048xi32>
    %add3A_541 = arith.addi %mul3A_537, %mul3A_540 : vector<2x2048xi32>
    %mul3A_542 = arith.constant 32 : i32
    %mul3A_543 = vector.broadcast %mul3A_542 : i32 to vector<2x2048xi32>
    %mul3A_544 = arith.muli %min3A_527, %mul3A_543 : vector<2x2048xi32>
    %add3A_545 = arith.addi %add3A_541, %mul3A_544 : vector<2x2048xi32>
    %add3A_546 = arith.addi %add3A_545, %min3A_488 : vector<2x2048xi32>
    %swap3A_547 = arith.constant 3 : index
    %swap3A_548 = arith.constant 0 : index
    %swap3A_549 = arith.constant 0 : index
    %swap3A_550 = vector.load %arg1[%swap3A_547, %swap3A_548, %swap3A_549] : memref<8x2x2048xi32, #tpu.memory_space<vmem>>, vector<1x2x2048xi32>
    %swap3A_551 = vector.shape_cast %swap3A_550 : vector<1x2x2048xi32> to vector<2x2048xi32>
    %swap3A_552 = vector.shape_cast %add3A_546 : vector<2x2048xi32> to vector<1x2x2048xi32>
    tpu.vector_store %arg1[%swap3A_547, %swap3A_548, %swap3A_549], %swap3A_552 {strides = array<i32>} : memref<8x2x2048xi32, #tpu.memory_space<vmem>>, vector<1x2x2048xi32>,
    %and3A_553 = arith.andi %and3A_482, %and3A_521 : vector<2x2048xi1>
    %convert_element_type3A_554 = arith.extui %and3A_553 : vector<2x2048xi1> to vector<2x2048xi32>
    %convert_element_type3A_555 = arith.sitofp %convert_element_type3A_554 : vector<2x2048xi32> to vector<2x2048xf32>
    %mul3A_556 = arith.constant -2.000000e+00 : f32
    %mul3A_557 = vector.broadcast %mul3A_556 : f32 to vector<2x2048xf32>
    %mul3A_558 = arith.mulf %convert_element_type3A_555, %mul3A_557 : vector<2x2048xf32>
    %swap3A_559 = arith.constant 3 : index
    %swap3A_560 = arith.constant 0 : index
    %swap3A_561 = arith.constant 0 : index
    %swap3A_562 = vector.load %arg3[%swap3A_559, %swap3A_560, %swap3A_561] : memref<8x2x2048xf32, #tpu.memory_space<vmem>>, vector<1x2x2048xf32>
    %swap3A_563 = vector.shape_cast %swap3A_562 : vector<1x2x2048xf32> to vector<2x2048xf32>
    %swap3A_564 = vector.shape_cast %mul3A_558 : vector<2x2048xf32> to vector<1x2x2048xf32>
    tpu.vector_store %arg3[%swap3A_559, %swap3A_560, %swap3A_561], %swap3A_564 {strides = array<i32>} : memref<8x2x2048xf32, #tpu.memory_space<vmem>>, vector<1x2x2048xf32>,
    %sub3A_565 = arith.constant 1.000000e+00 : f32
    %sub3A_566 = vector.broadcast %sub3A_565 : f32 to vector<2x2048xf32>
    %sub3A_567 = arith.subf %sub3A_566, %sub3A : vector<2x2048xf32>
    %mul3A_568 = arith.mulf %sub3A_567, %sub3A_55 : vector<2x2048xf32>
    %mul3A_569 = arith.mulf %mul3A_568, %sub3A_56 : vector<2x2048xf32>
    %swap3A_570 = arith.constant 3 : index
    %swap3A_571 = arith.constant 0 : index
    %swap3A_572 = arith.constant 0 : index
    %swap3A_573 = vector.load %arg2[%swap3A_570, %swap3A_571, %swap3A_572] : memref<8x2x2048xf32, #tpu.memory_space<vmem>>, vector<1x2x2048xf32>
    %swap3A_574 = vector.shape_cast %swap3A_573 : vector<1x2x2048xf32> to vector<2x2048xf32>
    %swap3A_575 = vector.shape_cast %mul3A_569 : vector<2x2048xf32> to vector<1x2x2048xf32>
    tpu.vector_store %arg2[%swap3A_570, %swap3A_571, %swap3A_572], %swap3A_575 {strides = array<i32>} : memref<8x2x2048xf32, #tpu.memory_space<vmem>>, vector<1x2x2048xf32>,
    %sub3A_576 = arith.constant 1.550000e+01 : f32
    %sub3A_577 = vector.broadcast %sub3A_576 : f32 to vector<2x2048xf32>
    %sub3A_578 = arith.subf %add3A_59, %sub3A_577 : vector<2x2048xf32>
    %div3A_579 = arith.constant 1.550000e+01 : f32
    %div3A_580 = vector.broadcast %div3A_579 : f32 to vector<2x2048xf32>
    %div3A_581 = arith.divf %sub3A_578, %div3A_580 : vector<2x2048xf32>
    %jit3A_582 = arith.constant -1.000000e+00 : f32
    %jit3A_583 = arith.constant 1.000000e+00 : f32
    %max3A_584 = vector.broadcast %jit3A_582 : f32 to vector<2x2048xf32>
    %max3A_585 = arith.maximumf %max3A_584, %div3A_581 : vector<2x2048xf32>
    %min3A_586 = vector.broadcast %jit3A_583 : f32 to vector<2x2048xf32>
    %min3A_587 = arith.minimumf %min3A_586, %max3A_585 : vector<2x2048xf32>
    %add3A_588 = arith.constant 1.000000e+00 : f32
    %add3A_589 = vector.broadcast %add3A_588 : f32 to vector<2x2048xf32>
    %add3A_590 = arith.addf %min3A_587, %add3A_589 : vector<2x2048xf32>
    %mul3A_591 = arith.constant 3.200000e+01 : f32
    %mul3A_592 = vector.broadcast %mul3A_591 : f32 to vector<2x2048xf32>
    %mul3A_593 = arith.mulf %add3A_590, %mul3A_592 : vector<2x2048xf32>
    %sub3A_594 = arith.constant 1.000000e+00 : f32
    %sub3A_595 = vector.broadcast %sub3A_594 : f32 to vector<2x2048xf32>
    %sub3A_596 = arith.subf %mul3A_593, %sub3A_595 : vector<2x2048xf32>
    %div3A_597 = arith.constant 2.000000e+00 : f32
    %div3A_598 = vector.broadcast %div3A_597 : f32 to vector<2x2048xf32>
    %div3A_599 = arith.divf %sub3A_596, %div3A_598 : vector<2x2048xf32>
    %round3A_600 = math.roundeven %div3A_599 : vector<2x2048xf32>
    %convert_element_type3A_601 = arith.fptosi %round3A_600 : vector<2x2048xf32> to vector<2x2048xi32>
    %ge3A_602 = arith.constant 0 : i32
    %ge3A_603 = vector.broadcast %ge3A_602 : i32 to vector<2x2048xi32>
    %ge3A_604 = arith.cmpi sge, %convert_element_type3A_601, %ge3A_603 : vector<2x2048xi32>
    %lt3A_605 = arith.constant 32 : i32
    %lt3A_606 = vector.broadcast %lt3A_605 : i32 to vector<2x2048xi32>
    %lt3A_607 = arith.cmpi slt, %convert_element_type3A_601, %lt3A_606 : vector<2x2048xi32>
    %and3A_608 = arith.andi %ge3A_604, %lt3A_607 : vector<2x2048xi1>
    %jit3A_609 = arith.constant 0 : i32
    %jit3A_610 = arith.constant 31 : i32
    %max3A_611 = vector.broadcast %jit3A_609 : i32 to vector<2x2048xi32>
    %max3A_612 = arith.maxsi %max3A_611, %convert_element_type3A_601 : vector<2x2048xi32>
    %min3A_613 = vector.broadcast %jit3A_610 : i32 to vector<2x2048xi32>
    %min3A_614 = arith.minsi %min3A_613, %max3A_612 : vector<2x2048xi32>
    %sub3A_615 = arith.constant 1.550000e+01 : f32
    %sub3A_616 = vector.broadcast %sub3A_615 : f32 to vector<2x2048xf32>
    %sub3A_617 = arith.subf %floor3A_53, %sub3A_616 : vector<2x2048xf32>
    %div3A_618 = arith.constant 1.550000e+01 : f32
    %div3A_619 = vector.broadcast %div3A_618 : f32 to vector<2x2048xf32>
    %div3A_620 = arith.divf %sub3A_617, %div3A_619 : vector<2x2048xf32>
    %jit3A_621 = arith.constant -1.000000e+00 : f32
    %jit3A_622 = arith.constant 1.000000e+00 : f32
    %max3A_623 = vector.broadcast %jit3A_621 : f32 to vector<2x2048xf32>
    %max3A_624 = arith.maximumf %max3A_623, %div3A_620 : vector<2x2048xf32>
    %min3A_625 = vector.broadcast %jit3A_622 : f32 to vector<2x2048xf32>
    %min3A_626 = arith.minimumf %min3A_625, %max3A_624 : vector<2x2048xf32>
    %add3A_627 = arith.constant 1.000000e+00 : f32
    %add3A_628 = vector.broadcast %add3A_627 : f32 to vector<2x2048xf32>
    %add3A_629 = arith.addf %min3A_626, %add3A_628 : vector<2x2048xf32>
    %mul3A_630 = arith.constant 3.200000e+01 : f32
    %mul3A_631 = vector.broadcast %mul3A_630 : f32 to vector<2x2048xf32>
    %mul3A_632 = arith.mulf %add3A_629, %mul3A_631 : vector<2x2048xf32>
    %sub3A_633 = arith.constant 1.000000e+00 : f32
    %sub3A_634 = vector.broadcast %sub3A_633 : f32 to vector<2x2048xf32>
    %sub3A_635 = arith.subf %mul3A_632, %sub3A_634 : vector<2x2048xf32>
    %div3A_636 = arith.constant 2.000000e+00 : f32
    %div3A_637 = vector.broadcast %div3A_636 : f32 to vector<2x2048xf32>
    %div3A_638 = arith.divf %sub3A_635, %div3A_637 : vector<2x2048xf32>
    %round3A_639 = math.roundeven %div3A_638 : vector<2x2048xf32>
    %convert_element_type3A_640 = arith.fptosi %round3A_639 : vector<2x2048xf32> to vector<2x2048xi32>
    %ge3A_641 = arith.constant 0 : i32
    %ge3A_642 = vector.broadcast %ge3A_641 : i32 to vector<2x2048xi32>
    %ge3A_643 = arith.cmpi sge, %convert_element_type3A_640, %ge3A_642 : vector<2x2048xi32>
    %lt3A_644 = arith.constant 32 : i32
    %lt3A_645 = vector.broadcast %lt3A_644 : i32 to vector<2x2048xi32>
    %lt3A_646 = arith.cmpi slt, %convert_element_type3A_640, %lt3A_645 : vector<2x2048xi32>
    %and3A_647 = arith.andi %ge3A_643, %lt3A_646 : vector<2x2048xi1>
    %jit3A_648 = arith.constant 0 : i32
    %jit3A_649 = arith.constant 31 : i32
    %max3A_650 = vector.broadcast %jit3A_648 : i32 to vector<2x2048xi32>
    %max3A_651 = arith.maxsi %max3A_650, %convert_element_type3A_640 : vector<2x2048xi32>
    %min3A_652 = vector.broadcast %jit3A_649 : i32 to vector<2x2048xi32>
    %min3A_653 = arith.minsi %min3A_652, %max3A_651 : vector<2x2048xi32>
    %convert_element_type3A_654 = arith.fptosi %floor3A_54 : vector<2x2048xf32> to vector<2x2048xi32>
    %jit3A_655 = arith.constant 0 : i32
    %jit3A_656 = arith.constant 15 : i32
    %max3A_657 = vector.broadcast %jit3A_655 : i32 to vector<2x2048xi32>
    %max3A_658 = arith.maxsi %max3A_657, %convert_element_type3A_654 : vector<2x2048xi32>
    %min3A_659 = vector.broadcast %jit3A_656 : i32 to vector<2x2048xi32>
    %min3A_660 = arith.minsi %min3A_659, %max3A_658 : vector<2x2048xi32>
    %mul3A_661 = arith.constant 16384 : i32
    %mul3A_662 = vector.broadcast %mul3A_661 : i32 to vector<2x2048xi32>
    %mul3A_663 = arith.muli %iota3A, %mul3A_662 : vector<2x2048xi32>
    %mul3A_664 = arith.constant 1024 : i32
    %mul3A_665 = vector.broadcast %mul3A_664 : i32 to vector<2x2048xi32>
    %mul3A_666 = arith.muli %min3A_660, %mul3A_665 : vector<2x2048xi32>
    %add3A_667 = arith.addi %mul3A_663, %mul3A_666 : vector<2x2048xi32>
    %mul3A_668 = arith.constant 32 : i32
    %mul3A_669 = vector.broadcast %mul3A_668 : i32 to vector<2x2048xi32>
    %mul3A_670 = arith.muli %min3A_653, %mul3A_669 : vector<2x2048xi32>
    %add3A_671 = arith.addi %add3A_667, %mul3A_670 : vector<2x2048xi32>
    %add3A_672 = arith.addi %add3A_671, %min3A_614 : vector<2x2048xi32>
    %swap3A_673 = arith.constant 4 : index
    %swap3A_674 = arith.constant 0 : index
    %swap3A_675 = arith.constant 0 : index
    %swap3A_676 = vector.load %arg1[%swap3A_673, %swap3A_674, %swap3A_675] : memref<8x2x2048xi32, #tpu.memory_space<vmem>>, vector<1x2x2048xi32>
    %swap3A_677 = vector.shape_cast %swap3A_676 : vector<1x2x2048xi32> to vector<2x2048xi32>
    %swap3A_678 = vector.shape_cast %add3A_672 : vector<2x2048xi32> to vector<1x2x2048xi32>
    tpu.vector_store %arg1[%swap3A_673, %swap3A_674, %swap3A_675], %swap3A_678 {strides = array<i32>} : memref<8x2x2048xi32, #tpu.memory_space<vmem>>, vector<1x2x2048xi32>,
    %and3A_679 = arith.andi %and3A_608, %and3A_647 : vector<2x2048xi1>
    %convert_element_type3A_680 = arith.extui %and3A_679 : vector<2x2048xi1> to vector<2x2048xi32>
    %convert_element_type3A_681 = arith.sitofp %convert_element_type3A_680 : vector<2x2048xi32> to vector<2x2048xf32>
    %mul3A_682 = arith.constant -2.000000e+00 : f32
    %mul3A_683 = vector.broadcast %mul3A_682 : f32 to vector<2x2048xf32>
    %mul3A_684 = arith.mulf %convert_element_type3A_681, %mul3A_683 : vector<2x2048xf32>
    %swap3A_685 = arith.constant 4 : index
    %swap3A_686 = arith.constant 0 : index
    %swap3A_687 = arith.constant 0 : index
    %swap3A_688 = vector.load %arg3[%swap3A_685, %swap3A_686, %swap3A_687] : memref<8x2x2048xf32, #tpu.memory_space<vmem>>, vector<1x2x2048xf32>
    %swap3A_689 = vector.shape_cast %swap3A_688 : vector<1x2x2048xf32> to vector<2x2048xf32>
    %swap3A_690 = vector.shape_cast %mul3A_684 : vector<2x2048xf32> to vector<1x2x2048xf32>
    tpu.vector_store %arg3[%swap3A_685, %swap3A_686, %swap3A_687], %swap3A_690 {strides = array<i32>} : memref<8x2x2048xf32, #tpu.memory_space<vmem>>, vector<1x2x2048xf32>,
    %sub3A_691 = arith.constant 1.000000e+00 : f32
    %sub3A_692 = vector.broadcast %sub3A_691 : f32 to vector<2x2048xf32>
    %sub3A_693 = arith.subf %sub3A_692, %sub3A_55 : vector<2x2048xf32>
    %sub3A_694 = arith.constant 1.000000e+00 : f32
    %sub3A_695 = vector.broadcast %sub3A_694 : f32 to vector<2x2048xf32>
    %sub3A_696 = arith.subf %sub3A_695, %sub3A_56 : vector<2x2048xf32>
    %mul3A_697 = arith.mulf %sub3A, %sub3A_693 : vector<2x2048xf32>
    %mul3A_698 = arith.mulf %mul3A_697, %sub3A_696 : vector<2x2048xf32>
    %swap3A_699 = arith.constant 4 : index
    %swap3A_700 = arith.constant 0 : index
    %swap3A_701 = arith.constant 0 : index
    %swap3A_702 = vector.load %arg2[%swap3A_699, %swap3A_700, %swap3A_701] : memref<8x2x2048xf32, #tpu.memory_space<vmem>>, vector<1x2x2048xf32>
    %swap3A_703 = vector.shape_cast %swap3A_702 : vector<1x2x2048xf32> to vector<2x2048xf32>
    %swap3A_704 = vector.shape_cast %mul3A_698 : vector<2x2048xf32> to vector<1x2x2048xf32>
    tpu.vector_store %arg2[%swap3A_699, %swap3A_700, %swap3A_701], %swap3A_704 {strides = array<i32>} : memref<8x2x2048xf32, #tpu.memory_space<vmem>>, vector<1x2x2048xf32>,
    %sub3A_705 = arith.constant 1.550000e+01 : f32
    %sub3A_706 = vector.broadcast %sub3A_705 : f32 to vector<2x2048xf32>
    %sub3A_707 = arith.subf %add3A_59, %sub3A_706 : vector<2x2048xf32>
    %div3A_708 = arith.constant 1.550000e+01 : f32
    %div3A_709 = vector.broadcast %div3A_708 : f32 to vector<2x2048xf32>
    %div3A_710 = arith.divf %sub3A_707, %div3A_709 : vector<2x2048xf32>
    %jit3A_711 = arith.constant -1.000000e+00 : f32
    %jit3A_712 = arith.constant 1.000000e+00 : f32
    %max3A_713 = vector.broadcast %jit3A_711 : f32 to vector<2x2048xf32>
    %max3A_714 = arith.maximumf %max3A_713, %div3A_710 : vector<2x2048xf32>
    %min3A_715 = vector.broadcast %jit3A_712 : f32 to vector<2x2048xf32>
    %min3A_716 = arith.minimumf %min3A_715, %max3A_714 : vector<2x2048xf32>
    %add3A_717 = arith.constant 1.000000e+00 : f32
    %add3A_718 = vector.broadcast %add3A_717 : f32 to vector<2x2048xf32>
    %add3A_719 = arith.addf %min3A_716, %add3A_718 : vector<2x2048xf32>
    %mul3A_720 = arith.constant 3.200000e+01 : f32
    %mul3A_721 = vector.broadcast %mul3A_720 : f32 to vector<2x2048xf32>
    %mul3A_722 = arith.mulf %add3A_719, %mul3A_721 : vector<2x2048xf32>
    %sub3A_723 = arith.constant 1.000000e+00 : f32
    %sub3A_724 = vector.broadcast %sub3A_723 : f32 to vector<2x2048xf32>
    %sub3A_725 = arith.subf %mul3A_722, %sub3A_724 : vector<2x2048xf32>
    %div3A_726 = arith.constant 2.000000e+00 : f32
    %div3A_727 = vector.broadcast %div3A_726 : f32 to vector<2x2048xf32>
    %div3A_728 = arith.divf %sub3A_725, %div3A_727 : vector<2x2048xf32>
    %round3A_729 = math.roundeven %div3A_728 : vector<2x2048xf32>
    %convert_element_type3A_730 = arith.fptosi %round3A_729 : vector<2x2048xf32> to vector<2x2048xi32>
    %ge3A_731 = arith.constant 0 : i32
    %ge3A_732 = vector.broadcast %ge3A_731 : i32 to vector<2x2048xi32>
    %ge3A_733 = arith.cmpi sge, %convert_element_type3A_730, %ge3A_732 : vector<2x2048xi32>
    %lt3A_734 = arith.constant 32 : i32
    %lt3A_735 = vector.broadcast %lt3A_734 : i32 to vector<2x2048xi32>
    %lt3A_736 = arith.cmpi slt, %convert_element_type3A_730, %lt3A_735 : vector<2x2048xi32>
    %and3A_737 = arith.andi %ge3A_733, %lt3A_736 : vector<2x2048xi1>
    %jit3A_738 = arith.constant 0 : i32
    %jit3A_739 = arith.constant 31 : i32
    %max3A_740 = vector.broadcast %jit3A_738 : i32 to vector<2x2048xi32>
    %max3A_741 = arith.maxsi %max3A_740, %convert_element_type3A_730 : vector<2x2048xi32>
    %min3A_742 = vector.broadcast %jit3A_739 : i32 to vector<2x2048xi32>
    %min3A_743 = arith.minsi %min3A_742, %max3A_741 : vector<2x2048xi32>
    %sub3A_744 = arith.constant 1.550000e+01 : f32
    %sub3A_745 = vector.broadcast %sub3A_744 : f32 to vector<2x2048xf32>
    %sub3A_746 = arith.subf %floor3A_53, %sub3A_745 : vector<2x2048xf32>
    %div3A_747 = arith.constant 1.550000e+01 : f32
    %div3A_748 = vector.broadcast %div3A_747 : f32 to vector<2x2048xf32>
    %div3A_749 = arith.divf %sub3A_746, %div3A_748 : vector<2x2048xf32>
    %jit3A_750 = arith.constant -1.000000e+00 : f32
    %jit3A_751 = arith.constant 1.000000e+00 : f32
    %max3A_752 = vector.broadcast %jit3A_750 : f32 to vector<2x2048xf32>
    %max3A_753 = arith.maximumf %max3A_752, %div3A_749 : vector<2x2048xf32>
    %min3A_754 = vector.broadcast %jit3A_751 : f32 to vector<2x2048xf32>
    %min3A_755 = arith.minimumf %min3A_754, %max3A_753 : vector<2x2048xf32>
    %add3A_756 = arith.constant 1.000000e+00 : f32
    %add3A_757 = vector.broadcast %add3A_756 : f32 to vector<2x2048xf32>
    %add3A_758 = arith.addf %min3A_755, %add3A_757 : vector<2x2048xf32>
    %mul3A_759 = arith.constant 3.200000e+01 : f32
    %mul3A_760 = vector.broadcast %mul3A_759 : f32 to vector<2x2048xf32>
    %mul3A_761 = arith.mulf %add3A_758, %mul3A_760 : vector<2x2048xf32>
    %sub3A_762 = arith.constant 1.000000e+00 : f32
    %sub3A_763 = vector.broadcast %sub3A_762 : f32 to vector<2x2048xf32>
    %sub3A_764 = arith.subf %mul3A_761, %sub3A_763 : vector<2x2048xf32>
    %div3A_765 = arith.constant 2.000000e+00 : f32
    %div3A_766 = vector.broadcast %div3A_765 : f32 to vector<2x2048xf32>
    %div3A_767 = arith.divf %sub3A_764, %div3A_766 : vector<2x2048xf32>
    %round3A_768 = math.roundeven %div3A_767 : vector<2x2048xf32>
    %convert_element_type3A_769 = arith.fptosi %round3A_768 : vector<2x2048xf32> to vector<2x2048xi32>
    %ge3A_770 = arith.constant 0 : i32
    %ge3A_771 = vector.broadcast %ge3A_770 : i32 to vector<2x2048xi32>
    %ge3A_772 = arith.cmpi sge, %convert_element_type3A_769, %ge3A_771 : vector<2x2048xi32>
    %lt3A_773 = arith.constant 32 : i32
    %lt3A_774 = vector.broadcast %lt3A_773 : i32 to vector<2x2048xi32>
    %lt3A_775 = arith.cmpi slt, %convert_element_type3A_769, %lt3A_774 : vector<2x2048xi32>
    %and3A_776 = arith.andi %ge3A_772, %lt3A_775 : vector<2x2048xi1>
    %jit3A_777 = arith.constant 0 : i32
    %jit3A_778 = arith.constant 31 : i32
    %max3A_779 = vector.broadcast %jit3A_777 : i32 to vector<2x2048xi32>
    %max3A_780 = arith.maxsi %max3A_779, %convert_element_type3A_769 : vector<2x2048xi32>
    %min3A_781 = vector.broadcast %jit3A_778 : i32 to vector<2x2048xi32>
    %min3A_782 = arith.minsi %min3A_781, %max3A_780 : vector<2x2048xi32>
    %convert_element_type3A_783 = arith.fptosi %add3A_65 : vector<2x2048xf32> to vector<2x2048xi32>
    %jit3A_784 = arith.constant 0 : i32
    %jit3A_785 = arith.constant 15 : i32
    %max3A_786 = vector.broadcast %jit3A_784 : i32 to vector<2x2048xi32>
    %max3A_787 = arith.maxsi %max3A_786, %convert_element_type3A_783 : vector<2x2048xi32>
    %min3A_788 = vector.broadcast %jit3A_785 : i32 to vector<2x2048xi32>
    %min3A_789 = arith.minsi %min3A_788, %max3A_787 : vector<2x2048xi32>
    %mul3A_790 = arith.constant 16384 : i32
    %mul3A_791 = vector.broadcast %mul3A_790 : i32 to vector<2x2048xi32>
    %mul3A_792 = arith.muli %iota3A, %mul3A_791 : vector<2x2048xi32>
    %mul3A_793 = arith.constant 1024 : i32
    %mul3A_794 = vector.broadcast %mul3A_793 : i32 to vector<2x2048xi32>
    %mul3A_795 = arith.muli %min3A_789, %mul3A_794 : vector<2x2048xi32>
    %add3A_796 = arith.addi %mul3A_792, %mul3A_795 : vector<2x2048xi32>
    %mul3A_797 = arith.constant 32 : i32
    %mul3A_798 = vector.broadcast %mul3A_797 : i32 to vector<2x2048xi32>
    %mul3A_799 = arith.muli %min3A_782, %mul3A_798 : vector<2x2048xi32>
    %add3A_800 = arith.addi %add3A_796, %mul3A_799 : vector<2x2048xi32>
    %add3A_801 = arith.addi %add3A_800, %min3A_743 : vector<2x2048xi32>
    %swap3A_802 = arith.constant 5 : index
    %swap3A_803 = arith.constant 0 : index
    %swap3A_804 = arith.constant 0 : index
    %swap3A_805 = vector.load %arg1[%swap3A_802, %swap3A_803, %swap3A_804] : memref<8x2x2048xi32, #tpu.memory_space<vmem>>, vector<1x2x2048xi32>
    %swap3A_806 = vector.shape_cast %swap3A_805 : vector<1x2x2048xi32> to vector<2x2048xi32>
    %swap3A_807 = vector.shape_cast %add3A_801 : vector<2x2048xi32> to vector<1x2x2048xi32>
    tpu.vector_store %arg1[%swap3A_802, %swap3A_803, %swap3A_804], %swap3A_807 {strides = array<i32>} : memref<8x2x2048xi32, #tpu.memory_space<vmem>>, vector<1x2x2048xi32>,
    %and3A_808 = arith.andi %and3A_737, %and3A_776 : vector<2x2048xi1>
    %convert_element_type3A_809 = arith.extui %and3A_808 : vector<2x2048xi1> to vector<2x2048xi32>
    %convert_element_type3A_810 = arith.sitofp %convert_element_type3A_809 : vector<2x2048xi32> to vector<2x2048xf32>
    %mul3A_811 = arith.constant -2.000000e+00 : f32
    %mul3A_812 = vector.broadcast %mul3A_811 : f32 to vector<2x2048xf32>
    %mul3A_813 = arith.mulf %convert_element_type3A_810, %mul3A_812 : vector<2x2048xf32>
    %swap3A_814 = arith.constant 5 : index
    %swap3A_815 = arith.constant 0 : index
    %swap3A_816 = arith.constant 0 : index
    %swap3A_817 = vector.load %arg3[%swap3A_814, %swap3A_815, %swap3A_816] : memref<8x2x2048xf32, #tpu.memory_space<vmem>>, vector<1x2x2048xf32>
    %swap3A_818 = vector.shape_cast %swap3A_817 : vector<1x2x2048xf32> to vector<2x2048xf32>
    %swap3A_819 = vector.shape_cast %mul3A_813 : vector<2x2048xf32> to vector<1x2x2048xf32>
    tpu.vector_store %arg3[%swap3A_814, %swap3A_815, %swap3A_816], %swap3A_819 {strides = array<i32>} : memref<8x2x2048xf32, #tpu.memory_space<vmem>>, vector<1x2x2048xf32>,
    %sub3A_820 = arith.constant 1.000000e+00 : f32
    %sub3A_821 = vector.broadcast %sub3A_820 : f32 to vector<2x2048xf32>
    %sub3A_822 = arith.subf %sub3A_821, %sub3A_55 : vector<2x2048xf32>
    %mul3A_823 = arith.mulf %sub3A, %sub3A_822 : vector<2x2048xf32>
    %mul3A_824 = arith.mulf %mul3A_823, %sub3A_56 : vector<2x2048xf32>
    %swap3A_825 = arith.constant 5 : index
    %swap3A_826 = arith.constant 0 : index
    %swap3A_827 = arith.constant 0 : index
    %swap3A_828 = vector.load %arg2[%swap3A_825, %swap3A_826, %swap3A_827] : memref<8x2x2048xf32, #tpu.memory_space<vmem>>, vector<1x2x2048xf32>
    %swap3A_829 = vector.shape_cast %swap3A_828 : vector<1x2x2048xf32> to vector<2x2048xf32>
    %swap3A_830 = vector.shape_cast %mul3A_824 : vector<2x2048xf32> to vector<1x2x2048xf32>
    tpu.vector_store %arg2[%swap3A_825, %swap3A_826, %swap3A_827], %swap3A_830 {strides = array<i32>} : memref<8x2x2048xf32, #tpu.memory_space<vmem>>, vector<1x2x2048xf32>,
    %sub3A_831 = arith.constant 1.550000e+01 : f32
    %sub3A_832 = vector.broadcast %sub3A_831 : f32 to vector<2x2048xf32>
    %sub3A_833 = arith.subf %add3A_59, %sub3A_832 : vector<2x2048xf32>
    %div3A_834 = arith.constant 1.550000e+01 : f32
    %div3A_835 = vector.broadcast %div3A_834 : f32 to vector<2x2048xf32>
    %div3A_836 = arith.divf %sub3A_833, %div3A_835 : vector<2x2048xf32>
    %jit3A_837 = arith.constant -1.000000e+00 : f32
    %jit3A_838 = arith.constant 1.000000e+00 : f32
    %max3A_839 = vector.broadcast %jit3A_837 : f32 to vector<2x2048xf32>
    %max3A_840 = arith.maximumf %max3A_839, %div3A_836 : vector<2x2048xf32>
    %min3A_841 = vector.broadcast %jit3A_838 : f32 to vector<2x2048xf32>
    %min3A_842 = arith.minimumf %min3A_841, %max3A_840 : vector<2x2048xf32>
    %add3A_843 = arith.constant 1.000000e+00 : f32
    %add3A_844 = vector.broadcast %add3A_843 : f32 to vector<2x2048xf32>
    %add3A_845 = arith.addf %min3A_842, %add3A_844 : vector<2x2048xf32>
    %mul3A_846 = arith.constant 3.200000e+01 : f32
    %mul3A_847 = vector.broadcast %mul3A_846 : f32 to vector<2x2048xf32>
    %mul3A_848 = arith.mulf %add3A_845, %mul3A_847 : vector<2x2048xf32>
    %sub3A_849 = arith.constant 1.000000e+00 : f32
    %sub3A_850 = vector.broadcast %sub3A_849 : f32 to vector<2x2048xf32>
    %sub3A_851 = arith.subf %mul3A_848, %sub3A_850 : vector<2x2048xf32>
    %div3A_852 = arith.constant 2.000000e+00 : f32
    %div3A_853 = vector.broadcast %div3A_852 : f32 to vector<2x2048xf32>
    %div3A_854 = arith.divf %sub3A_851, %div3A_853 : vector<2x2048xf32>
    %round3A_855 = math.roundeven %div3A_854 : vector<2x2048xf32>
    %convert_element_type3A_856 = arith.fptosi %round3A_855 : vector<2x2048xf32> to vector<2x2048xi32>
    %ge3A_857 = arith.constant 0 : i32
    %ge3A_858 = vector.broadcast %ge3A_857 : i32 to vector<2x2048xi32>
    %ge3A_859 = arith.cmpi sge, %convert_element_type3A_856, %ge3A_858 : vector<2x2048xi32>
    %lt3A_860 = arith.constant 32 : i32
    %lt3A_861 = vector.broadcast %lt3A_860 : i32 to vector<2x2048xi32>
    %lt3A_862 = arith.cmpi slt, %convert_element_type3A_856, %lt3A_861 : vector<2x2048xi32>
    %and3A_863 = arith.andi %ge3A_859, %lt3A_862 : vector<2x2048xi1>
    %jit3A_864 = arith.constant 0 : i32
    %jit3A_865 = arith.constant 31 : i32
    %max3A_866 = vector.broadcast %jit3A_864 : i32 to vector<2x2048xi32>
    %max3A_867 = arith.maxsi %max3A_866, %convert_element_type3A_856 : vector<2x2048xi32>
    %min3A_868 = vector.broadcast %jit3A_865 : i32 to vector<2x2048xi32>
    %min3A_869 = arith.minsi %min3A_868, %max3A_867 : vector<2x2048xi32>
    %sub3A_870 = arith.constant 1.550000e+01 : f32
    %sub3A_871 = vector.broadcast %sub3A_870 : f32 to vector<2x2048xf32>
    %sub3A_872 = arith.subf %add3A_62, %sub3A_871 : vector<2x2048xf32>
    %div3A_873 = arith.constant 1.550000e+01 : f32
    %div3A_874 = vector.broadcast %div3A_873 : f32 to vector<2x2048xf32>
    %div3A_875 = arith.divf %sub3A_872, %div3A_874 : vector<2x2048xf32>
    %jit3A_876 = arith.constant -1.000000e+00 : f32
    %jit3A_877 = arith.constant 1.000000e+00 : f32
    %max3A_878 = vector.broadcast %jit3A_876 : f32 to vector<2x2048xf32>
    %max3A_879 = arith.maximumf %max3A_878, %div3A_875 : vector<2x2048xf32>
    %min3A_880 = vector.broadcast %jit3A_877 : f32 to vector<2x2048xf32>
    %min3A_881 = arith.minimumf %min3A_880, %max3A_879 : vector<2x2048xf32>
    %add3A_882 = arith.constant 1.000000e+00 : f32
    %add3A_883 = vector.broadcast %add3A_882 : f32 to vector<2x2048xf32>
    %add3A_884 = arith.addf %min3A_881, %add3A_883 : vector<2x2048xf32>
    %mul3A_885 = arith.constant 3.200000e+01 : f32
    %mul3A_886 = vector.broadcast %mul3A_885 : f32 to vector<2x2048xf32>
    %mul3A_887 = arith.mulf %add3A_884, %mul3A_886 : vector<2x2048xf32>
    %sub3A_888 = arith.constant 1.000000e+00 : f32
    %sub3A_889 = vector.broadcast %sub3A_888 : f32 to vector<2x2048xf32>
    %sub3A_890 = arith.subf %mul3A_887, %sub3A_889 : vector<2x2048xf32>
    %div3A_891 = arith.constant 2.000000e+00 : f32
    %div3A_892 = vector.broadcast %div3A_891 : f32 to vector<2x2048xf32>
    %div3A_893 = arith.divf %sub3A_890, %div3A_892 : vector<2x2048xf32>
    %round3A_894 = math.roundeven %div3A_893 : vector<2x2048xf32>
    %convert_element_type3A_895 = arith.fptosi %round3A_894 : vector<2x2048xf32> to vector<2x2048xi32>
    %ge3A_896 = arith.constant 0 : i32
    %ge3A_897 = vector.broadcast %ge3A_896 : i32 to vector<2x2048xi32>
    %ge3A_898 = arith.cmpi sge, %convert_element_type3A_895, %ge3A_897 : vector<2x2048xi32>
    %lt3A_899 = arith.constant 32 : i32
    %lt3A_900 = vector.broadcast %lt3A_899 : i32 to vector<2x2048xi32>
    %lt3A_901 = arith.cmpi slt, %convert_element_type3A_895, %lt3A_900 : vector<2x2048xi32>
    %and3A_902 = arith.andi %ge3A_898, %lt3A_901 : vector<2x2048xi1>
    %jit3A_903 = arith.constant 0 : i32
    %jit3A_904 = arith.constant 31 : i32
    %max3A_905 = vector.broadcast %jit3A_903 : i32 to vector<2x2048xi32>
    %max3A_906 = arith.maxsi %max3A_905, %convert_element_type3A_895 : vector<2x2048xi32>
    %min3A_907 = vector.broadcast %jit3A_904 : i32 to vector<2x2048xi32>
    %min3A_908 = arith.minsi %min3A_907, %max3A_906 : vector<2x2048xi32>
    %convert_element_type3A_909 = arith.fptosi %floor3A_54 : vector<2x2048xf32> to vector<2x2048xi32>
    %jit3A_910 = arith.constant 0 : i32
    %jit3A_911 = arith.constant 15 : i32
    %max3A_912 = vector.broadcast %jit3A_910 : i32 to vector<2x2048xi32>
    %max3A_913 = arith.maxsi %max3A_912, %convert_element_type3A_909 : vector<2x2048xi32>
    %min3A_914 = vector.broadcast %jit3A_911 : i32 to vector<2x2048xi32>
    %min3A_915 = arith.minsi %min3A_914, %max3A_913 : vector<2x2048xi32>
    %mul3A_916 = arith.constant 16384 : i32
    %mul3A_917 = vector.broadcast %mul3A_916 : i32 to vector<2x2048xi32>
    %mul3A_918 = arith.muli %iota3A, %mul3A_917 : vector<2x2048xi32>
    %mul3A_919 = arith.constant 1024 : i32
    %mul3A_920 = vector.broadcast %mul3A_919 : i32 to vector<2x2048xi32>
    %mul3A_921 = arith.muli %min3A_915, %mul3A_920 : vector<2x2048xi32>
    %add3A_922 = arith.addi %mul3A_918, %mul3A_921 : vector<2x2048xi32>
    %mul3A_923 = arith.constant 32 : i32
    %mul3A_924 = vector.broadcast %mul3A_923 : i32 to vector<2x2048xi32>
    %mul3A_925 = arith.muli %min3A_908, %mul3A_924 : vector<2x2048xi32>
    %add3A_926 = arith.addi %add3A_922, %mul3A_925 : vector<2x2048xi32>
    %add3A_927 = arith.addi %add3A_926, %min3A_869 : vector<2x2048xi32>
    %swap3A_928 = arith.constant 6 : index
    %swap3A_929 = arith.constant 0 : index
    %swap3A_930 = arith.constant 0 : index
    %swap3A_931 = vector.load %arg1[%swap3A_928, %swap3A_929, %swap3A_930] : memref<8x2x2048xi32, #tpu.memory_space<vmem>>, vector<1x2x2048xi32>
    %swap3A_932 = vector.shape_cast %swap3A_931 : vector<1x2x2048xi32> to vector<2x2048xi32>
    %swap3A_933 = vector.shape_cast %add3A_927 : vector<2x2048xi32> to vector<1x2x2048xi32>
    tpu.vector_store %arg1[%swap3A_928, %swap3A_929, %swap3A_930], %swap3A_933 {strides = array<i32>} : memref<8x2x2048xi32, #tpu.memory_space<vmem>>, vector<1x2x2048xi32>,
    %and3A_934 = arith.andi %and3A_863, %and3A_902 : vector<2x2048xi1>
    %convert_element_type3A_935 = arith.extui %and3A_934 : vector<2x2048xi1> to vector<2x2048xi32>
    %convert_element_type3A_936 = arith.sitofp %convert_element_type3A_935 : vector<2x2048xi32> to vector<2x2048xf32>
    %mul3A_937 = arith.constant -2.000000e+00 : f32
    %mul3A_938 = vector.broadcast %mul3A_937 : f32 to vector<2x2048xf32>
    %mul3A_939 = arith.mulf %convert_element_type3A_936, %mul3A_938 : vector<2x2048xf32>
    %swap3A_940 = arith.constant 6 : index
    %swap3A_941 = arith.constant 0 : index
    %swap3A_942 = arith.constant 0 : index
    %swap3A_943 = vector.load %arg3[%swap3A_940, %swap3A_941, %swap3A_942] : memref<8x2x2048xf32, #tpu.memory_space<vmem>>, vector<1x2x2048xf32>
    %swap3A_944 = vector.shape_cast %swap3A_943 : vector<1x2x2048xf32> to vector<2x2048xf32>
    %swap3A_945 = vector.shape_cast %mul3A_939 : vector<2x2048xf32> to vector<1x2x2048xf32>
    tpu.vector_store %arg3[%swap3A_940, %swap3A_941, %swap3A_942], %swap3A_945 {strides = array<i32>} : memref<8x2x2048xf32, #tpu.memory_space<vmem>>, vector<1x2x2048xf32>,
    %sub3A_946 = arith.constant 1.000000e+00 : f32
    %sub3A_947 = vector.broadcast %sub3A_946 : f32 to vector<2x2048xf32>
    %sub3A_948 = arith.subf %sub3A_947, %sub3A_56 : vector<2x2048xf32>
    %mul3A_949 = arith.mulf %sub3A, %sub3A_55 : vector<2x2048xf32>
    %mul3A_950 = arith.mulf %mul3A_949, %sub3A_948 : vector<2x2048xf32>
    %swap3A_951 = arith.constant 6 : index
    %swap3A_952 = arith.constant 0 : index
    %swap3A_953 = arith.constant 0 : index
    %swap3A_954 = vector.load %arg2[%swap3A_951, %swap3A_952, %swap3A_953] : memref<8x2x2048xf32, #tpu.memory_space<vmem>>, vector<1x2x2048xf32>
    %swap3A_955 = vector.shape_cast %swap3A_954 : vector<1x2x2048xf32> to vector<2x2048xf32>
    %swap3A_956 = vector.shape_cast %mul3A_950 : vector<2x2048xf32> to vector<1x2x2048xf32>
    tpu.vector_store %arg2[%swap3A_951, %swap3A_952, %swap3A_953], %swap3A_956 {strides = array<i32>} : memref<8x2x2048xf32, #tpu.memory_space<vmem>>, vector<1x2x2048xf32>,
    %sub3A_957 = arith.constant 1.550000e+01 : f32
    %sub3A_958 = vector.broadcast %sub3A_957 : f32 to vector<2x2048xf32>
    %sub3A_959 = arith.subf %add3A_59, %sub3A_958 : vector<2x2048xf32>
    %div3A_960 = arith.constant 1.550000e+01 : f32
    %div3A_961 = vector.broadcast %div3A_960 : f32 to vector<2x2048xf32>
    %div3A_962 = arith.divf %sub3A_959, %div3A_961 : vector<2x2048xf32>
    %jit3A_963 = arith.constant -1.000000e+00 : f32
    %jit3A_964 = arith.constant 1.000000e+00 : f32
    %max3A_965 = vector.broadcast %jit3A_963 : f32 to vector<2x2048xf32>
    %max3A_966 = arith.maximumf %max3A_965, %div3A_962 : vector<2x2048xf32>
    %min3A_967 = vector.broadcast %jit3A_964 : f32 to vector<2x2048xf32>
    %min3A_968 = arith.minimumf %min3A_967, %max3A_966 : vector<2x2048xf32>
    %add3A_969 = arith.constant 1.000000e+00 : f32
    %add3A_970 = vector.broadcast %add3A_969 : f32 to vector<2x2048xf32>
    %add3A_971 = arith.addf %min3A_968, %add3A_970 : vector<2x2048xf32>
    %mul3A_972 = arith.constant 3.200000e+01 : f32
    %mul3A_973 = vector.broadcast %mul3A_972 : f32 to vector<2x2048xf32>
    %mul3A_974 = arith.mulf %add3A_971, %mul3A_973 : vector<2x2048xf32>
    %sub3A_975 = arith.constant 1.000000e+00 : f32
    %sub3A_976 = vector.broadcast %sub3A_975 : f32 to vector<2x2048xf32>
    %sub3A_977 = arith.subf %mul3A_974, %sub3A_976 : vector<2x2048xf32>
    %div3A_978 = arith.constant 2.000000e+00 : f32
    %div3A_979 = vector.broadcast %div3A_978 : f32 to vector<2x2048xf32>
    %div3A_980 = arith.divf %sub3A_977, %div3A_979 : vector<2x2048xf32>
    %round3A_981 = math.roundeven %div3A_980 : vector<2x2048xf32>
    %convert_element_type3A_982 = arith.fptosi %round3A_981 : vector<2x2048xf32> to vector<2x2048xi32>
    %ge3A_983 = arith.constant 0 : i32
    %ge3A_984 = vector.broadcast %ge3A_983 : i32 to vector<2x2048xi32>
    %ge3A_985 = arith.cmpi sge, %convert_element_type3A_982, %ge3A_984 : vector<2x2048xi32>
    %lt3A_986 = arith.constant 32 : i32
    %lt3A_987 = vector.broadcast %lt3A_986 : i32 to vector<2x2048xi32>
    %lt3A_988 = arith.cmpi slt, %convert_element_type3A_982, %lt3A_987 : vector<2x2048xi32>
    %and3A_989 = arith.andi %ge3A_985, %lt3A_988 : vector<2x2048xi1>
    %jit3A_990 = arith.constant 0 : i32
    %jit3A_991 = arith.constant 31 : i32
    %max3A_992 = vector.broadcast %jit3A_990 : i32 to vector<2x2048xi32>
    %max3A_993 = arith.maxsi %max3A_992, %convert_element_type3A_982 : vector<2x2048xi32>
    %min3A_994 = vector.broadcast %jit3A_991 : i32 to vector<2x2048xi32>
    %min3A_995 = arith.minsi %min3A_994, %max3A_993 : vector<2x2048xi32>
    %sub3A_996 = arith.constant 1.550000e+01 : f32
    %sub3A_997 = vector.broadcast %sub3A_996 : f32 to vector<2x2048xf32>
    %sub3A_998 = arith.subf %add3A_62, %sub3A_997 : vector<2x2048xf32>
    %div3A_999 = arith.constant 1.550000e+01 : f32
    %div3A_1000 = vector.broadcast %div3A_999 : f32 to vector<2x2048xf32>
    %div3A_1001 = arith.divf %sub3A_998, %div3A_1000 : vector<2x2048xf32>
    %jit3A_1002 = arith.constant -1.000000e+00 : f32
    %jit3A_1003 = arith.constant 1.000000e+00 : f32
    %max3A_1004 = vector.broadcast %jit3A_1002 : f32 to vector<2x2048xf32>
    %max3A_1005 = arith.maximumf %max3A_1004, %div3A_1001 : vector<2x2048xf32>
    %min3A_1006 = vector.broadcast %jit3A_1003 : f32 to vector<2x2048xf32>
    %min3A_1007 = arith.minimumf %min3A_1006, %max3A_1005 : vector<2x2048xf32>
    %add3A_1008 = arith.constant 1.000000e+00 : f32
    %add3A_1009 = vector.broadcast %add3A_1008 : f32 to vector<2x2048xf32>
    %add3A_1010 = arith.addf %min3A_1007, %add3A_1009 : vector<2x2048xf32>
    %mul3A_1011 = arith.constant 3.200000e+01 : f32
    %mul3A_1012 = vector.broadcast %mul3A_1011 : f32 to vector<2x2048xf32>
    %mul3A_1013 = arith.mulf %add3A_1010, %mul3A_1012 : vector<2x2048xf32>
    %sub3A_1014 = arith.constant 1.000000e+00 : f32
    %sub3A_1015 = vector.broadcast %sub3A_1014 : f32 to vector<2x2048xf32>
    %sub3A_1016 = arith.subf %mul3A_1013, %sub3A_1015 : vector<2x2048xf32>
    %div3A_1017 = arith.constant 2.000000e+00 : f32
    %div3A_1018 = vector.broadcast %div3A_1017 : f32 to vector<2x2048xf32>
    %div3A_1019 = arith.divf %sub3A_1016, %div3A_1018 : vector<2x2048xf32>
    %round3A_1020 = math.roundeven %div3A_1019 : vector<2x2048xf32>
    %convert_element_type3A_1021 = arith.fptosi %round3A_1020 : vector<2x2048xf32> to vector<2x2048xi32>
    %ge3A_1022 = arith.constant 0 : i32
    %ge3A_1023 = vector.broadcast %ge3A_1022 : i32 to vector<2x2048xi32>
    %ge3A_1024 = arith.cmpi sge, %convert_element_type3A_1021, %ge3A_1023 : vector<2x2048xi32>
    %lt3A_1025 = arith.constant 32 : i32
    %lt3A_1026 = vector.broadcast %lt3A_1025 : i32 to vector<2x2048xi32>
    %lt3A_1027 = arith.cmpi slt, %convert_element_type3A_1021, %lt3A_1026 : vector<2x2048xi32>
    %and3A_1028 = arith.andi %ge3A_1024, %lt3A_1027 : vector<2x2048xi1>
    %jit3A_1029 = arith.constant 0 : i32
    %jit3A_1030 = arith.constant 31 : i32
    %max3A_1031 = vector.broadcast %jit3A_1029 : i32 to vector<2x2048xi32>
    %max3A_1032 = arith.maxsi %max3A_1031, %convert_element_type3A_1021 : vector<2x2048xi32>
    %min3A_1033 = vector.broadcast %jit3A_1030 : i32 to vector<2x2048xi32>
    %min3A_1034 = arith.minsi %min3A_1033, %max3A_1032 : vector<2x2048xi32>
    %convert_element_type3A_1035 = arith.fptosi %add3A_65 : vector<2x2048xf32> to vector<2x2048xi32>
    %jit3A_1036 = arith.constant 0 : i32
    %jit3A_1037 = arith.constant 15 : i32
    %max3A_1038 = vector.broadcast %jit3A_1036 : i32 to vector<2x2048xi32>
    %max3A_1039 = arith.maxsi %max3A_1038, %convert_element_type3A_1035 : vector<2x2048xi32>
    %min3A_1040 = vector.broadcast %jit3A_1037 : i32 to vector<2x2048xi32>
    %min3A_1041 = arith.minsi %min3A_1040, %max3A_1039 : vector<2x2048xi32>
    %mul3A_1042 = arith.constant 16384 : i32
    %mul3A_1043 = vector.broadcast %mul3A_1042 : i32 to vector<2x2048xi32>
    %mul3A_1044 = arith.muli %iota3A, %mul3A_1043 : vector<2x2048xi32>
    %mul3A_1045 = arith.constant 1024 : i32
    %mul3A_1046 = vector.broadcast %mul3A_1045 : i32 to vector<2x2048xi32>
    %mul3A_1047 = arith.muli %min3A_1041, %mul3A_1046 : vector<2x2048xi32>
    %add3A_1048 = arith.addi %mul3A_1044, %mul3A_1047 : vector<2x2048xi32>
    %mul3A_1049 = arith.constant 32 : i32
    %mul3A_1050 = vector.broadcast %mul3A_1049 : i32 to vector<2x2048xi32>
    %mul3A_1051 = arith.muli %min3A_1034, %mul3A_1050 : vector<2x2048xi32>
    %add3A_1052 = arith.addi %add3A_1048, %mul3A_1051 : vector<2x2048xi32>
    %add3A_1053 = arith.addi %add3A_1052, %min3A_995 : vector<2x2048xi32>
    %swap3A_1054 = arith.constant 7 : index
    %swap3A_1055 = arith.constant 0 : index
    %swap3A_1056 = arith.constant 0 : index
    %swap3A_1057 = vector.load %arg1[%swap3A_1054, %swap3A_1055, %swap3A_1056] : memref<8x2x2048xi32, #tpu.memory_space<vmem>>, vector<1x2x2048xi32>
    %swap3A_1058 = vector.shape_cast %swap3A_1057 : vector<1x2x2048xi32> to vector<2x2048xi32>
    %swap3A_1059 = vector.shape_cast %add3A_1053 : vector<2x2048xi32> to vector<1x2x2048xi32>
    tpu.vector_store %arg1[%swap3A_1054, %swap3A_1055, %swap3A_1056], %swap3A_1059 {strides = array<i32>} : memref<8x2x2048xi32, #tpu.memory_space<vmem>>, vector<1x2x2048xi32>,
    %and3A_1060 = arith.andi %and3A_989, %and3A_1028 : vector<2x2048xi1>
    %convert_element_type3A_1061 = arith.extui %and3A_1060 : vector<2x2048xi1> to vector<2x2048xi32>
    %convert_element_type3A_1062 = arith.sitofp %convert_element_type3A_1061 : vector<2x2048xi32> to vector<2x2048xf32>
    %mul3A_1063 = arith.constant -2.000000e+00 : f32
    %mul3A_1064 = vector.broadcast %mul3A_1063 : f32 to vector<2x2048xf32>
    %mul3A_1065 = arith.mulf %convert_element_type3A_1062, %mul3A_1064 : vector<2x2048xf32>
    %swap3A_1066 = arith.constant 7 : index
    %swap3A_1067 = arith.constant 0 : index
    %swap3A_1068 = arith.constant 0 : index
    %swap3A_1069 = vector.load %arg3[%swap3A_1066, %swap3A_1067, %swap3A_1068] : memref<8x2x2048xf32, #tpu.memory_space<vmem>>, vector<1x2x2048xf32>
    %swap3A_1070 = vector.shape_cast %swap3A_1069 : vector<1x2x2048xf32> to vector<2x2048xf32>
    %swap3A_1071 = vector.shape_cast %mul3A_1065 : vector<2x2048xf32> to vector<1x2x2048xf32>
    tpu.vector_store %arg3[%swap3A_1066, %swap3A_1067, %swap3A_1068], %swap3A_1071 {strides = array<i32>} : memref<8x2x2048xf32, #tpu.memory_space<vmem>>, vector<1x2x2048xf32>,
    %mul3A_1072 = arith.mulf %sub3A, %sub3A_55 : vector<2x2048xf32>
    %mul3A_1073 = arith.mulf %mul3A_1072, %sub3A_56 : vector<2x2048xf32>
    %swap3A_1074 = arith.constant 7 : index
    %swap3A_1075 = arith.constant 0 : index
    %swap3A_1076 = arith.constant 0 : index
    %swap3A_1077 = vector.load %arg2[%swap3A_1074, %swap3A_1075, %swap3A_1076] : memref<8x2x2048xf32, #tpu.memory_space<vmem>>, vector<1x2x2048xf32>
    %swap3A_1078 = vector.shape_cast %swap3A_1077 : vector<1x2x2048xf32> to vector<2x2048xf32>
    %swap3A_1079 = vector.shape_cast %mul3A_1073 : vector<2x2048xf32> to vector<1x2x2048xf32>
    tpu.vector_store %arg2[%swap3A_1074, %swap3A_1075, %swap3A_1076], %swap3A_1079 {strides = array<i32>} : memref<8x2x2048xf32, #tpu.memory_space<vmem>>, vector<1x2x2048xf32>,
    return
  }
}

</mosaic_0001>

<sc_bundles>
// kernel: kernel.5.cloned.1.call-start
scs
__scs_entry_jumppad:
0x0: {  	(pc) =	sbr.rel $0x88, $3  }
0x1: {  	(tag) =	ssettag $0x0;
	lr =	simm.s32 $0x1  }
0x2: {  	[smem:$0x3F9E] =	sst lr;
	_ =	strace $0xD0000000  }
0x3: {  	_ = 	snop  }
0x4: {  	_ = 	snop  }
0x5: {  	_ = 	snop  }
0x6: {  	_ = 	snop  }
0x7: {  	_ = 	snop  }
__scs_overlays_trampoline_lowered:
0x8: {  	[smem:$0x3FAD] =	sst s0  }
0x9: {  	[smem:$0x3FAE] =	sst s1  }
0xa: {  	[smem:$0x3FAF] =	sst s2  }
0xb: {  	[smem:$0x3FB0] =	sst s3  }
0xc: {  	[smem:$0x3FB1] =	sst s4  }
0xd: {  	[smem:$0x3FB2] =	sst s5  }
0xe: {  	[smem:$0x3FB3] =	sst s6  }
0xf: {  	[smem:$0x3FB4] =	sst s7  }
0x10: {  	[smem:$0x3FB5] =	sst s8  }
0x11: {  	[smem:$0x3FB6] =	sst s9;
	s0 =	simm.s32 @!p0 $0x0  }
0x12: {  	s1 =	sld [smem:$0x3F9C];
	s0 =	simm.s32 @p0 $0x1  }
0x13: {  	[smem:$0x3FB7] =	sst s0;
	s0 =	simm.s32 @!p1 $0x0  }
0x14: {  	s2 =	sld [smem:$0x3F9B];
	s0 =	simm.s32 @p1 $0x1  }
0x15: {  	[smem:$0x3FB8] =	sst s0;
	s0 =	simm.s32 @!p2 $0x0  }
0x16: {  	s3 =	sld [smem:$0x3FDB];
	s0 =	simm.s32 @p2 $0x1  }
0x17: {  	s4 =	simm.s32 $0x1BF5;
	[smem:$0x3FBA] =	sst s0  }
0x18: {  	s0 =	sld [smem:$0x3F9D];
	_ =	swait.ge [sflag:s4], $0x0  }
0x19: {  	s7 =	sld [smem:$0x3F9E]  }
0x1a: {  	s8 =	sadd.s32 $0xFFFFE003, lr  }
0x1b: {  	s9 =	sadd.s32 $0xFFFFFEF7, lr;
	s5 =	simm.s32 $0xFFFFFFFF;
	p2 =	slt.u32 s8, $0xFFFFF086  }
0x1c: {  	p1 =	slt.u32 s9, $0xF7A;
	s5 =	simm.s32 @!p2 $0x0  }
0x1d: {  	s5 =	simm.s32 @p1 $0x1;
	p0 =	seq.s32 s7, s2  }
0x1e: {  	s7 =	smul.u32 @!p0 $0xF7A, s2;
	p2 =	seq.s32 @!p0 s5, $0x0  }
0x1f: {  	s9 =	smul.u32 $0xF7A, s1;
	s8 =	simm.s32 @!p0 $0x1BF5;
	p2 =	por !p2, p0  }
0x20: {  	[sflag:s8] =	ssyncset.s32 @!p0 $0xFFFFF086;
	s6 =	sadd.s32 @!p0 s3, s7;
	s7 =	simm.s32 @!p0 $0x108  }
0x21: {  	s3 =	sadd.s32 s3, s9;
	s6 =	sadd.s32 @!p0 $0x88, s6;
	s7 =	simm.s32 @p2 $0x1082  }
0x22: {  	[simem:s7], [sflag:s8] =	dma.local @!p0 [hbm:s6], $0xF7A  }
0x23: {  	s9 =	sor.u32 $0xD0000000, s2;
	s6 =	simm.s32 $0x108;
	_ =	swait.ge @!p0 [sflag:s8], $0x0  }
0x24: {  	s3 =	sadd.s32 $0x88, s3;
	s6 =	simm.s32 @!p1 $0x1082;
	[sflag:s4] =	ssyncset.s32 $0xFFFFF086  }
0x25: {  	[simem:s6], [sflag:s4] =	dma.local [hbm:s3], $0xF7A  }
0x26: {  	[smem:$0x3F9E] =	sst s1;
	(tag) =	ssettag s2;
	_ =	strace s9  }
0x27: {  	s1 =	sld [smem:$0x3FAE]  }
0x28: {  	s2 =	sld [smem:$0x3FAF]  }
0x29: {  	s4 =	sld [smem:$0x3FB1]  }
0x2a: {  	p0 =	seq.s32 s5, $0x0;
	s5 =	sld [smem:$0x3FB2]  }
0x2b: {  	s6 =	sld [smem:$0x3FB3]  }
0x2c: {  	s7 =	sld [smem:$0x3FB4]  }
0x2d: {  	s3 =	simm.s32 $0x108;
	s8 =	sld [smem:$0x3FB5]  }
0x2e: {  	s3 =	simm.s32 @!p0 $0x1082;
	s9 =	sld [smem:$0x3FB6]  }
0x2f: {  	lr =	sadd.s32 s0, s3;
	s0 =	sld [smem:$0x3FAD]  }
0x30: {  	s3 =	sld [smem:$0x3FB0]  }
0x31: {  	[smem:$0x3FB9] =	sst s10  }
0x32: {  	s10 =	sld [smem:$0x3FB7];
	_ =	sdelay $0x3  }
0x33: {  	p0 =	seq.s32 s10, $0x1;
	s10 =	sld [smem:$0x3FB9];
	_ =	sdelay $0x3  }
0x34: {  	[smem:$0x3FB9] =	sst s10  }
0x35: {  	s10 =	sld [smem:$0x3FB8];
	_ =	sdelay $0x3  }
0x36: {  	p1 =	seq.s32 s10, $0x1;
	s10 =	sld [smem:$0x3FB9];
	_ =	sdelay $0x3  }
0x37: {  	[smem:$0x3FB9] =	sst s10  }
0x38: {  	s10 =	sld [smem:$0x3FBA]  }
0x39: {  	_ = 	snop;
	(pc) =	sbr.ind lr, $3  }
0x3a: {  	_ = 	snop  }
0x3b: {  	_ = 	snop  }
0x3c: {  	p2 =	seq.s32 s10, $0x1;
	s10 =	sld [smem:$0x3FB9]  }
0x3d: {  	_ =	shalt  }
0x3e: {  	_ =	shalt  }
0x3f: {  	_ =	shalt  }
0x40: {  	_ =	shalt  }
0x41: {  	_ =	shalt  }
0x42: {  	_ =	shalt  }
0x43: {  	_ =	shalt  }
0x44: {  	_ =	shalt  }
0x45: {  	_ =	shalt  }
0x46: {  	_ =	shalt  }
0x47: {  	_ =	shalt  }
0x48: {  	_ =	shalt  }
0x49: {  	_ =	shalt  }
0x4a: {  	_ =	shalt  }
0x4b: {  	_ =	shalt  }
0x4c: {  	_ =	shalt  }
0x4d: {  	_ =	shalt  }
0x4e: {  	_ =	shalt  }
0x4f: {  	_ =	shalt  }
0x50: {  	_ =	shalt  }
0x51: {  	_ =	shalt  }
0x52: {  	_ =	shalt  }
0x53: {  	_ =	shalt  }
0x54: {  	_ =	shalt  }
0x55: {  	_ =	shalt  }
0x56: {  	_ =	shalt  }
0x57: {  	_ =	shalt  }
0x58: {  	_ =	shalt  }
0x59: {  	_ =	shalt  }
0x5a: {  	_ =	shalt  }
0x5b: {  	_ =	shalt  }
0x5c: {  	_ =	shalt  }
0x5d: {  	_ =	shalt  }
0x5e: {  	_ =	shalt  }
0x5f: {  	_ =	shalt  }
0x60: {  	_ =	shalt  }
0x61: {  	_ =	shalt  }
0x62: {  	_ =	shalt  }
0x63: {  	_ =	shalt  }
0x64: {  	_ =	shalt  }
0x65: {  	_ =	shalt  }
0x66: {  	_ =	shalt  }
0x67: {  	_ =	shalt  }
0x68: {  	_ =	shalt  }
0x69: {  	_ =	shalt  }
0x6a: {  	_ =	shalt  }
0x6b: {  	_ =	shalt  }
0x6c: {  	_ =	shalt  }
0x6d: {  	_ =	shalt  }
0x6e: {  	_ =	shalt  }
0x6f: {  	_ =	shalt  }
0x70: {  	_ =	shalt  }
0x71: {  	_ =	shalt  }
0x72: {  	_ =	shalt  }
0x73: {  	_ =	shalt  }
0x74: {  	_ =	shalt  }
0x75: {  	_ =	shalt  }
0x76: {  	_ =	shalt  }
0x77: {  	_ =	shalt  }
0x78: {  	_ =	shalt  }
0x79: {  	_ =	shalt  }
0x7a: {  	_ =	shalt  }
0x7b: {  	_ =	shalt  }
0x7c: {  	_ =	shalt  }
0x7d: {  	_ =	shalt  }
0x7e: {  	_ =	shalt  }
0x7f: {  	_ =	shalt  }
0x80: {  	_ =	shalt  }
0x81: {  	_ =	shalt  }
0x82: {  	_ =	shalt  }
0x83: {  	_ =	shalt  }
0x84: {  	_ =	shalt  }
0x85: {  	_ =	shalt  }
0x86: {  	_ =	shalt  }
0x87: {  	_ =	shalt  }
.Lfunc_end0:
.L_simem_size_0:
called_computation_lowered:
.L_overlay_start_0:
0x88: {  	s2 =	sld [smem:$0x3FD9]  }
0x89: {  	s3 =	sld [smem:$0x3FFE];
	_ =	sdelay $0x1  }
0x8a: {  	s1 =	srdreg.scid  }
0x8b: {  	s0 =	sand.u32 $0x1, s1  }
0x8c: {  	s17 =	sshll.u32 s0, $0xA;
	s2 =	sadd.s32 s3, s2  }
0x8d: {  	s2 =	sadd.s32 s2, s17  }
0x8e: {  	[smem:$0x3FC5] =	sst s2  }
0x8f: {  	_ = 	snop  }
0x90: {  	s2 =	sld [smem:$0x3FC9]  }
0x91: {  	s18 =	sld [smem:$0x3FD0];
	(tm) =	ssettm $0x1  }
0x92: {  	s4 =	sld [smem:$0x3FFB];
	_ =	sdelay $0x3  }
0x93: {  	_ =	strace s4  }
0x94: {  	s4 =	sld [smem:$0x3FFC];
	_ =	sdelay $0x3  }
0x95: {  	_ =	strace s4  }
0x96: {  	s4 =	sld [smem:$0x3FFD];
	_ =	sdelay $0x3  }
0x97: {  	_ =	strace s4  }
0x98: {  	_ =	strace $0x8FFFFFFF  }
0x99: {  	s19 =	sld [smem:$0x3FDB];
	_ =	sdelay $0x1  }
0x9a: {  	s5 =	simm.s32 $_scs_section_size  }
0x9b: {  	s6 =	simm.s32 $_size__tile_overlayer_lowered;
	s7 =	simm.s32 $_tile_overlayer_lowered  }
0x9c: {  	s22 =	simm.s32 $0x1BFF;
	s21 =	sshll.u32 s7, $0x1;
	s4 =	sadd.s32 s5, s19  }
0x9d: {  	s8 =	simm.s32 $0x0;
	s20 =	sshll.u32 s6, $0x1;
	s6 =	sadd.s32 s21, s4  }
0x9e: {  	[timem:s8], [sflag:s22] =	dma.local [hbm:s6], s20  }
0x9f: {  	_ =	swait.ge [sflag:s22], s20  }
0xa0: {  	s5 =	ssub.s32 $0x0, s20;
	[sflag:s22] =	ssyncset.done $0x0  }
0xa1: {  	[sflag:s22] =	ssyncadd.s32 s5;
	_ =	sdelay $0x1  }
0xa2: {  	s23 =	simm.s32 $0x1B8B  }
0xa3: {  	_ =	swait.ge [sflag:s23], $0x1  }
0xa4: {  	[sflag:s23] =	ssyncset.done $0x0  }
0xa5: {  	s25 =	simm.s32 $0x1B8E;
	s24 =	sld [smem:$0x3FFE];
	[sflag:s23] =	ssyncadd.s32 $0xFFFFFFFF  }
0xa6: {  	s26 =	simm.s32 $execute0_lowered;
	[smem:$0x3FD2] =	sst s25  }
0xa7: {  	s6 =	sshll.u32 s26, $0x1;
	_ =	strace $0x80000046;
	[dreg:$0x1] =	wrdreg $0xFFFFFFFF  }
0xa8: {  	s28 =	simm.s32 $_size_execute0_lowered;
	s4 =	sadd.s32 s4, s6;
	[dreg:$0x0] =	wrdreg $0x0  }
0xa9: {  	s6 =	sshll.u32 s28, $0x1;
	[dreg:$0x2] =	wrdreg s4  }
0xaa: {  	[dreg:$0x3] =	wrdreg s6  }
0xab: {  	[dreg:$0x4] =	wrdreg $0xC0  }
0xac: {  	_ =	task [dreg:s8], $0x5FFFF  }
0xad: {  	[dreg:$0x1] =	wrdreg $0xFFFFFFFF  }
0xae: {  	[dreg:$0x0] =	wrdreg $0x60  }
0xaf: {  	[dreg:$0x2] =	wrdreg s2  }
0xb0: {  	[dreg:$0x3] =	wrdreg s18  }
0xb1: {  	[dreg:$0x4] =	wrdreg s24  }
0xb2: {  	[dreg:$0x5] =	wrdreg $0x9  }
0xb3: {  	_ =	task.clear_ibuf [dreg:s8], $0x6FFFF;
	_ =	strace $0x90000046  }
0xb4: {  	s29 =	simm.s32 $0x9;
	_ =	strace $0x8000004F  }
0xb5: {  	_ =	swait.ge [sflag:s29], $0x1  }
0xb6: {  	[sflag:s29] =	ssyncadd.s32 $0xFFFFFFFF  }
0xb7: {  	_ =	strace $0x9000004F  }
0xb8: {  	_ =	sfence  }
0xb9: {  	s30 =	sld [smem:$0x0];
	_ =	sdelay $0x2  }
0xba: {  	s31 =	sshll.u32 s1, $0xD;
	s1 =	sshrl.u32 s1, $0x2  }
0xbb: {  	s3 =	sand.u32 $0x4000, s31;
	s1 =	sadd.s32 s1, s30  }
0xbc: {  	s0 =	sor.u32 s3, s0;
	s1 =	sshll.u32 s1, $0x11  }
0xbd: {  	s0 =	sor.u32 s1, s0  }
0xbe: {  	s0 =	sadd.s32 $0x8F2B, s0  }
0xbf: {  	[sflag:s0] =	ssyncadd.remote.s32 $0x1  }
0xc0: {  	_ =	sfence.sel $0xFFFF  }
0xc1: {  	[dreg:$0x0] =	wrdreg $0xFFFFFFFF;
	(pc) =	sbr.abs _section_cstart, $3  }
0xc2: {  	[dreg:$0x1] =	wrdreg $0xFFFFFFFF  }
0xc3: {  	_ =	task.clear_ibuf [dreg:s8], $0x2FFFF;
	_ =	strace $0x9FFFFFFF  }
0xc4: {  	(tm) =	ssettm $0x7FFFFFFF  }
0xc5: {  	_ =	shalt  }
tec
execute0_lowered:
.L_overlay_start_1:
0x0: {  	(tag) =	ssettag $0x1  }
0x1: {  	s1 =	rddreg [dreg:$0x0]  }
0x2: {  	s2 =	rddreg [dreg:$0x1]  }
0x3: {  	s5 =	rddreg [dreg:$0x2]  }
0x4: {  	s0 =	rddreg [dreg:$0x3];
	s3 =	simm.s32 $0x0;
	s4 =	srdreg.scid  }
0x5: {  	s9 =	simm.s32 $0x4;
	s10 =	simm.s32 $0x0;
	[smem:$0x7FF] =	sst s3  }
0x6: {  	s6 =	sand.u32 $0x1, s4;
	s4 =	stileid.u32;
	s5 =	sadd.s32 $0x800, s5  }
0x7: {  	_ =	strace $0x80000047;
	s7 =	ssub.s32 $0x2, s6;
	s6 =	sshll.u32 s6, $0x4  }
0x8: {  	v2 =	vlaneseq.u32;
	[dreg:$0x4] =	wrdreg s5;
	s8 =	sshrl.u32 s7, $0x1;
	s6 =	sor.u32 s4, s6  }
0x9: {  	vm0 =	vmmov $0xffff;
	v1 =	vshrl.u32 v2, $0x3;
	s7 =	ssub.s32 s7, s8;
	s31 =	sshll.u32 s6, $0x7;
	s5 =	sshll.u32 s6, $0x3  }
0xa: {  	v0 =	vand.u32 $0x7, v2;
	v2 =	vor.u32 $0x8, v2;
	v1 =	vmul.u32 $0x8, v1;
	s8 =	simm.s32 $0x5;
	s6 =	sadd.s32 s2, s31;
	s7 =	smax.u32 s7, $0x1  }
.LBB2_1:
0xb: {  	_ =	strace $0x80000048;
	s11 =	simm.s32 $0x8  }
0xc: {  	s12 =	simm.s32 $0x0;
	s13 =	simm.s32 $0x0;
	s14 =	simm.s32 $0x0  }
0xd: {  	[tilespmem:s3], [sflag:$0x1] =	stream.linear.gather [hbm4b:s6+s3], $0x80, $0x200038;
	[tilespmem:$0x10100] =	vst v63  }
0xe: {  	s15 =	simm.s32 $0x0;
	s16 =	simm.s32 $0x1;
	_ =	strace $0x90000048  }
.LBB2_2:
0xf: {  	s17 =	smov.u32 s12;
	s12 =	sadd.s32 $0x1, s12  }
0x10: {  	p0 =	seq.s32 s12, $0x8  }
0x11: {  	s12 =	simm.s32 @p0 $0x0  }
0x12: {  	p6 =	sne.s32 s11, $0x1;
	p1 =	sne.s32 s17, s12  }
0x13: {  	p0 =	por !p6, !p1  }
0x14: {  	p0 =	por !p0, !p0  }
0x15: {  	s18 =	sadd.s32 @p0 s5, s12  }
0x16: {  	s19 =	sand.u32 @p0 $0x1, s16;
	s18 =	sshll.u32 @p0 s18, $0x4  }
0x17: {  	_ =	strace @p0 $0x80000049;
	s21 =	simm.s32 @p0 $0x0;
	s18 =	sand.u32 @p0 $0x1FFFFFF0, s18  }
0x18: {  	s20 =	sshll.u32 @p0 s19, $0x7;
	s19 =	sadd.s32 @p0 $0x1, s19;
	s18 =	sadd.s32 @p0 s2, s18  }
0x19: {  	[tilespmem:s20], [sflag:s19] =	stream.linear.gather @p0 [hbm4b:s18+s21], $0x80, $0x200038;
	[tilespmem:$0x10100] =	vst v63  }
0x1a: {  	s24 =	sand.u32 $0x1, s15;
	_ =	strace @p0 $0x90000049  }
0x1b: {  	s18 =	sadd.s32 $0x1, s24;
	_ =	strace $0x8000004A  }
0x1c: {  	_ =	swait.ge [sflag:s18], $0x80  }
0x1d: {  	[sflag:s18] =	ssyncset.done $0x0  }
0x1e: {  	[sflag:s18] =	ssyncadd.s32 $0xFFFFFF80  }
0x1f: {  	s25 =	sshll.u32 s15, $0x7;
	_ =	strace $0x9000004A  }
0x20: {  	s21 =	sand.u32 $0x80, s25;
	_ =	strace $0x8000004B  }
0x21: {  	v3 =	vld [tilespmem:s21+$0x0];
	_ =	sdelay $0x4  }
0x22: {  	v4 =	vshll.u32 v3, $0x1  }
0x23: {  	v3 =	vand.u32 $0x7, v3;
	v4 =	vand.u32 $0xFFFFFFF0, v4  }
0x24: {  	v3 =	vor.u32 v3, v4  }
0x25: {  	v4 =	vperm.xlane v3, v0;
	_ =	sdelay $0x1  }
0x26: {  	v3 =	vperm.xlane v3, v2;
	v4 =	vadd.s32 v1, v4;
	_ =	sdelay $0x1  }
0x27: {  	s18 =	sand.u32 $0x1, s14;
	v3 =	vadd.s32 v1, v3  }
0x28: {  	s20 =	sshll.u32 s18, $0xF  }
0x29: {  	s19 =	sor.u32 $0x100, s20  }
0x2a: {  	[tilespmem:s19], [sflag:$0x5] =	stream.indirect_vreg.gather [hbm4b:s1+s3], $0x80, v4, vm0, $0x2000b8;
	[tilespmem:$0x10100] =	vst v63  }
0x2b: {  	s22 =	sor.u32 $0x900, s20  }
0x2c: {  	[tilespmem:s22], [sflag:$0x5] =	stream.indirect_vreg.gather [hbm4b:s1+s3], $0x80, v3, vm0, $0x2000b8;
	[tilespmem:$0x10100] =	vst v63  }
0x2d: {  	v3 =	vld [tilespmem:s21+$0x10];
	_ =	sdelay $0x4  }
0x2e: {  	v57 =	vshll.u32 v3, $0x1  }
0x2f: {  	v3 =	vand.u32 $0x7, v3;
	v4 =	vand.u32 $0xFFFFFFF0, v57  }
0x30: {  	v3 =	vor.u32 v3, v4  }
0x31: {  	v4 =	vperm.xlane v3, v0;
	_ =	sdelay $0x1  }
0x32: {  	v3 =	vperm.xlane v3, v2;
	v4 =	vadd.s32 v1, v4;
	_ =	sdelay $0x1  }
0x33: {  	v3 =	vadd.s32 v1, v3;
	_ =	sdelay $0x1  }
0x34: {  	s26 =	sor.u32 $0x1100, s20  }
0x35: {  	[tilespmem:s26], [sflag:$0x5] =	stream.indirect_vreg.gather [hbm4b:s1+s3], $0x80, v4, vm0, $0x2000b8;
	[tilespmem:$0x10100] =	vst v63  }
0x36: {  	s28 =	sor.u32 $0x1900, s20  }
0x37: {  	[tilespmem:s28], [sflag:$0x5] =	stream.indirect_vreg.gather [hbm4b:s1+s3], $0x80, v3, vm0, $0x2000b8;
	[tilespmem:$0x10100] =	vst v63  }
0x38: {  	v3 =	vld [tilespmem:s21+$0x20];
	_ =	sdelay $0x4  }
0x39: {  	v58 =	vshll.u32 v3, $0x1  }
0x3a: {  	v3 =	vand.u32 $0x7, v3;
	v4 =	vand.u32 $0xFFFFFFF0, v58  }
0x3b: {  	v3 =	vor.u32 v3, v4  }
0x3c: {  	v4 =	vperm.xlane v3, v0;
	_ =	sdelay $0x1  }
0x3d: {  	v3 =	vperm.xlane v3, v2;
	v4 =	vadd.s32 v1, v4;
	_ =	sdelay $0x1  }
0x3e: {  	v3 =	vadd.s32 v1, v3;
	_ =	sdelay $0x1  }
0x3f: {  	s29 =	sor.u32 $0x2100, s20  }
0x40: {  	[tilespmem:s29], [sflag:$0x5] =	stream.indirect_vreg.gather [hbm4b:s1+s3], $0x80, v4, vm0, $0x2000b8;
	[tilespmem:$0x10100] =	vst v63  }
0x41: {  	s30 =	sor.u32 $0x2900, s20  }
0x42: {  	[tilespmem:s30], [sflag:$0x5] =	stream.indirect_vreg.gather [hbm4b:s1+s3], $0x80, v3, vm0, $0x2000b8;
	[tilespmem:$0x10100] =	vst v63  }
0x43: {  	v3 =	vld [tilespmem:s21+$0x30];
	_ =	sdelay $0x4  }
0x44: {  	v59 =	vshll.u32 v3, $0x1  }
0x45: {  	v3 =	vand.u32 $0x7, v3;
	v4 =	vand.u32 $0xFFFFFFF0, v59  }
0x46: {  	v3 =	vor.u32 v3, v4  }
0x47: {  	v4 =	vperm.xlane v3, v0;
	_ =	sdelay $0x1  }
0x48: {  	v3 =	vperm.xlane v3, v2;
	v4 =	vadd.s32 v1, v4;
	_ =	sdelay $0x1  }
0x49: {  	v3 =	vadd.s32 v1, v3;
	_ =	sdelay $0x1  }
0x4a: {  	s31 =	sor.u32 $0x3100, s20  }
0x4b: {  	[tilespmem:s31], [sflag:$0x5] =	stream.indirect_vreg.gather [hbm4b:s1+s3], $0x80, v4, vm0, $0x2000b8;
	[tilespmem:$0x10100] =	vst v63  }
0x4c: {  	s23 =	sor.u32 $0x3900, s20  }
0x4d: {  	[tilespmem:s23], [sflag:$0x5] =	stream.indirect_vreg.gather [hbm4b:s1+s3], $0x80, v3, vm0, $0x2000b8;
	[tilespmem:$0x10100] =	vst v63  }
0x4e: {  	v3 =	vld [tilespmem:s21+$0x40];
	_ =	sdelay $0x4  }
0x4f: {  	v60 =	vshll.u32 v3, $0x1  }
0x50: {  	v3 =	vand.u32 $0x7, v3;
	v4 =	vand.u32 $0xFFFFFFF0, v60  }
0x51: {  	v3 =	vor.u32 v3, v4  }
0x52: {  	v4 =	vperm.xlane v3, v0;
	_ =	sdelay $0x1  }
0x53: {  	v3 =	vperm.xlane v3, v2;
	v4 =	vadd.s32 v1, v4;
	_ =	sdelay $0x1  }
0x54: {  	v3 =	vadd.s32 v1, v3;
	_ =	sdelay $0x1  }
0x55: {  	s24 =	sor.u32 $0x4100, s20  }
0x56: {  	[tilespmem:s24], [sflag:$0x5] =	stream.indirect_vreg.gather [hbm4b:s1+s3], $0x80, v4, vm0, $0x2000b8;
	[tilespmem:$0x10100] =	vst v63  }
0x57: {  	s25 =	sor.u32 $0x4900, s20  }
0x58: {  	[tilespmem:s25], [sflag:$0x5] =	stream.indirect_vreg.gather [hbm4b:s1+s3], $0x80, v3, vm0, $0x2000b8;
	[tilespmem:$0x10100] =	vst v63  }
0x59: {  	v3 =	vld [tilespmem:s21+$0x50];
	_ =	sdelay $0x4  }
0x5a: {  	v61 =	vshll.u32 v3, $0x1  }
0x5b: {  	v3 =	vand.u32 $0x7, v3;
	v4 =	vand.u32 $0xFFFFFFF0, v61  }
0x5c: {  	v3 =	vor.u32 v3, v4  }
0x5d: {  	v4 =	vperm.xlane v3, v0;
	_ =	sdelay $0x1  }
0x5e: {  	v3 =	vperm.xlane v3, v2;
	v4 =	vadd.s32 v1, v4;
	_ =	sdelay $0x1  }
0x5f: {  	v3 =	vadd.s32 v1, v3;
	_ =	sdelay $0x1  }
0x60: {  	s26 =	sor.u32 $0x5100, s20  }
0x61: {  	[tilespmem:s26], [sflag:$0x5] =	stream.indirect_vreg.gather [hbm4b:s1+s3], $0x80, v4, vm0, $0x2000b8;
	[tilespmem:$0x10100] =	vst v63  }
0x62: {  	s28 =	sor.u32 $0x5900, s20  }
0x63: {  	[tilespmem:s28], [sflag:$0x5] =	stream.indirect_vreg.gather [hbm4b:s1+s3], $0x80, v3, vm0, $0x2000b8;
	[tilespmem:$0x10100] =	vst v63  }
0x64: {  	v3 =	vld [tilespmem:s21+$0x60];
	_ =	sdelay $0x4  }
0x65: {  	v62 =	vshll.u32 v3, $0x1  }
0x66: {  	v3 =	vand.u32 $0x7, v3;
	v4 =	vand.u32 $0xFFFFFFF0, v62  }
0x67: {  	v3 =	vor.u32 v3, v4  }
0x68: {  	v4 =	vperm.xlane v3, v0;
	_ =	sdelay $0x1  }
0x69: {  	v3 =	vperm.xlane v3, v2;
	v4 =	vadd.s32 v1, v4;
	_ =	sdelay $0x1  }
0x6a: {  	v3 =	vadd.s32 v1, v3;
	_ =	sdelay $0x1  }
0x6b: {  	s29 =	sor.u32 $0x6100, s20  }
0x6c: {  	[tilespmem:s29], [sflag:$0x5] =	stream.indirect_vreg.gather [hbm4b:s1+s3], $0x80, v4, vm0, $0x2000b8;
	[tilespmem:$0x10100] =	vst v63  }
0x6d: {  	s30 =	sor.u32 $0x6900, s20  }
0x6e: {  	[tilespmem:s30], [sflag:$0x5] =	stream.indirect_vreg.gather [hbm4b:s1+s3], $0x80, v3, vm0, $0x2000b8;
	[tilespmem:$0x10100] =	vst v63  }
0x6f: {  	v3 =	vld [tilespmem:s21+$0x70];
	_ =	sdelay $0x4  }
0x70: {  	v63 =	vshll.u32 v3, $0x1  }
0x71: {  	v3 =	vand.u32 $0x7, v3;
	v4 =	vand.u32 $0xFFFFFFF0, v63  }
0x72: {  	v3 =	vor.u32 v3, v4  }
0x73: {  	v4 =	vperm.xlane v3, v0;
	_ =	sdelay $0x1  }
0x74: {  	v3 =	vperm.xlane v3, v2;
	v4 =	vadd.s32 v1, v4;
	_ =	sdelay $0x1  }
0x75: {  	v3 =	vadd.s32 v1, v3;
	_ =	sdelay $0x1  }
0x76: {  	s31 =	sor.u32 $0x7100, s20  }
0x77: {  	[tilespmem:s31], [sflag:$0x5] =	stream.indirect_vreg.gather [hbm4b:s1+s3], $0x80, v4, vm0, $0x2000b8;
	[tilespmem:$0x10100] =	vst v63  }
0x78: {  	s20 =	sor.u32 $0x7900, s20  }
0x79: {  	[tilespmem:s20], [sflag:$0x5] =	stream.indirect_vreg.gather [hbm4b:s1+s3], $0x80, v3, vm0, $0x2000b8;
	[tilespmem:$0x10100] =	vst v63  }
0x7a: {  	_ =	swait.ge [sflag:s8], $0x8000  }
0x7b: {  	p2 =	seq.s32 s11, $0x1;
	[sflag:s8] =	ssyncset.done $0x0  }
0x7c: {  	s17 =	sadd.s32 s5, s17;
	p1 =	por p2, p1;
	[sflag:s8] =	ssyncadd.s32 $0xFFFF8000  }
0x7d: {  	s17 =	sshll.u32 @p1 s17, $0xC;
	_ =	strace $0x9000004B  }
0x7e: {  	s17 =	sand.u32 @p1 $0x1FFFF000, s17;
	s21 =	simm.s32 $0x1;
	_ =	strace @p1 $0x8000004C  }
0x7f: {  	s18 =	sadd.s32 @p1 $0x3, s18;
	s21 =	simm.s32 @!p0 $0x0;
	s20 =	rddreg [dreg:$0x4]  }
0x80: {  	p0 =	seq.s32 s11, $0x8;
	s17 =	sadd.s32 @p1 s20, s17;
	s20 =	simm.s32 @p1 $0x0  }
0x81: {  	[hbm4b:s17+s20] =	stream.linear.scatter @p1 [tilespmem:s19], [sflag:s18], $0x8000, $0x200038;
	[tilespmem:$0x10100] =	vst v63  }
0x82: {  	s17 =	simm.s32 $0x1;
	s19 =	simm.s32 $0x1;
	_ =	strace @p1 $0x9000004C  }
0x83: {  	s17 =	simm.s32 @!p1 $0x0;
	p1 =	sne.s32 s11, $0x8;
	s11 =	sadd.s32 $0xFFFFFFFF, s11  }
0x84: {  	s18 =	sand.u32 @!p0 $0x1, s13;
	s19 =	simm.s32 @!p1 $0x0;
	p1 =	sne.s32 s11, $0x0  }
.Ltmp0:
0x85: {  	s18 =	sadd.s32 @!p0 $0x3, s18;
	_ =	strace @!p0 $0x8000004D;
	(pc) =	sbr.rel @p1 .LBB2_2-.Ltmp0, $4  }
0x86: {  	_ =	swait.ge @!p0 [sflag:s18], $0x8000  }
0x87: {  	[sflag:s18] =	ssyncset.done @!p0 $0x0  }
0x88: {  	s16 =	sadd.s32 s21, s16;
	s14 =	sadd.s32 s17, s14;
	[sflag:s18] =	ssyncadd.s32 @!p0 $0xFFFF8000  }
0x89: {  	s15 =	sadd.s32 s17, s15;
	s13 =	sadd.s32 s19, s13;
	_ =	strace @!p0 $0x9000004D  }
0x8a: {  	s10 =	sadd.s32 $0x1, s10  }
0x8b: {  	p0 =	sne.s32 s10, s7  }
.Ltmp1:
0x8c: {  	_ =	strace $0x8000004E;
	(pc) =	sbr.rel @p0 .LBB2_1-.Ltmp1, $4  }
0x8d: {  	_ =	swait.ge [sflag:s9], $0x8000  }
0x8e: {  	[sflag:s9] =	ssyncset.done $0x0  }
0x8f: {  	[sflag:s9] =	ssyncadd.s32 $0xFFFF8000  }
0x90: {  	_ =	strace $0x9000004E  }
0x91: {  	_ =	sfence.sel $0x180000  }
0x92: {  	[bflag:$0x0] =	sbarrier.arrive $0xFFFF  }
0x93: {  	p0 =	sne.s32 s4, $0x0;
	_ =	strace $0x90000047  }
0x94: {  	s0 =	sadd.s32 @!p0 $0x100000, s0;
	[bflag:$0x2] =	sbarrier.arrive $0xFFFF  }
0x95: {  	[sflag:s0] =	ssyncadd.tile.s32 @!p0 $0x1;
	_ =	shalt  }
.Lfunc_end2:
_tile_overlayer_lowered:
.L_overlay_start_2:
0x96: {  	(tag) =	ssettag $0x2  }
0x97: {  	s0 =	rddreg [dreg:$0x0];
	s2 =	stileid.u32  }
0x98: {  	s1 =	rddreg [dreg:$0x1];
	p0 =	sne.s32 s2, $0x0  }
0x99: {  	s3 =	rddreg [dreg:$0x2];
	[bflag:$0x3] =	sbarrier.arrive $0xFFFF;
	s2 =	simm.s32 @!p0 $0x1C01  }
0x9a: {  	[timem:s3], [sflag:s2] =	dma.local @!p0 [hbm:s0], s1  }
0x9b: {  	s0 =	simm.s32 @!p0 $0x1  }
0x9c: {  	_ =	swait.ge @!p0 [sflag:s0], s1  }
0x9d: {  	s1 =	ssub.s32 @!p0 $0x0, s1;
	[sflag:s0] =	ssyncset.done @!p0 $0x0  }
0x9e: {  	[sflag:s0] =	ssyncadd.s32 @!p0 s1  }
0x9f: {  	[bflag:$0x3] =	sbarrier.arrive $0xFFFF  }
0xa0: {  	_ =	shalt  }

</sc_bundles>
